<compile_context>
chip_gen: v7x
topology: tpu7x:2x2x1
jax: 0.10.2.dev20260603
libtpu: 0.0.44.dev20260713+nightly
codegen_flags: <defaults>
</compile_context>

<pallas_src>
import functools

import jax
import jax.numpy as jnp
from jax import lax
from jax.experimental import pallas as pl
from jax.experimental.pallas import tpu as pltpu
from jax.experimental.pallas import tpu_sc as plsc

B, D, N = 8, 3, 16384
P = 128
K = 256
NBLK = 2048

_mesh = plsc.VectorSubcoreMesh(core_axis_name="c", subcore_axis_name="s")
_sc_params = pltpu.CompilerParams(needs_layout_passes=False)


def _k0_body(data_ref, cent_ref, q_ref, cidx, cidx3, qbuf, sem):
    cid = lax.axis_index("c")
    sid = lax.axis_index("s")
    wid = sid * 2 + cid

    @pl.when(wid == 0)
    def _():
        pltpu.sync_copy(cent_ref, cidx)
        for j in range(P // 16):
            cv = cidx[pl.ds(j * 16, 16)]
            for k in range(B * D):
                cidx3[pl.ds(k * P + j * 16, 16)] = cv + k * N
        pltpu.async_copy(data_ref.at[cidx3], qbuf, sem).wait()
        pltpu.sync_copy(qbuf, q_ref)


@functools.partial(jax.jit, static_argnames=())
def _k0(data, centers):
    k = pl.kernel(
        _k0_body,
        out_type=jax.ShapeDtypeStruct((B * P * D,), jnp.float32),
        mesh=_mesh,
        compiler_params=_sc_params,
        scratch_types=[
            pltpu.VMEM((P,), jnp.int32),
            pltpu.VMEM((B * P * D,), jnp.int32),
            pltpu.VMEM((B * P * D,), jnp.float32),
            pltpu.SemaphoreType.DMA,
        ],
    )
    return k(data.reshape(B * D * N), centers)


def _d2_body(data_ref, q_ref, out_ref):
    q = q_ref[0]
    x0 = data_ref[0, 0, :]
    x1 = data_ref[0, 1, :]
    x2c = data_ref[0, 2, :]
    q0 = q[:, 0:1]
    q1 = q[:, 1:2]
    q2c = q[:, 2:3]
    x2 = (x0 * x0 + x2c * x2c) + x1 * x1
    qq = (q0 * q0 + q2c * q2c) + q1 * q1
    bf = jnp.bfloat16
    qb = q.astype(bf)
    xb = data_ref[0].astype(bf)
    dot = jax.lax.dot_general(
        qb, xb, (((1,), (0,)), ((), ())),
        preferred_element_type=jnp.float32)
    d2 = (qq - 2.0 * dot) + x2[None, :]
    out_ref[0] = d2


def _d2_pallas(data, q):
    grid = (B, N // NBLK)
    return pl.pallas_call(
        _d2_body,
        out_shape=jax.ShapeDtypeStruct((B, P, N), jnp.float32),
        grid=grid,
        in_specs=[
            pl.BlockSpec((1, 3, NBLK), lambda b, n: (b, 0, n)),
            pl.BlockSpec((1, P, 3), lambda b, n: (b, 0, 0)),
        ],
        out_specs=pl.BlockSpec((1, P, NBLK), lambda b, n: (b, 0, n)),
    )(data, q)


ROWS_PER_TILE = 32
CAP = 1024
NCH = N // 16
BISECT_ITERS = 14

_INF = float("inf")


_GDN = lax.GatherDimensionNumbers(
    offset_dims=(), collapsed_slice_dims=(0,), start_index_map=(0,))


def _shuf(v, pv):
    return lax.gather(v, pv[:, None], _GDN, slice_sizes=(1,),
                      mode=lax.GatherScatterMode.PROMISE_IN_BOUNDS)


def _bstage(d_v, i_v, s, dd, i16):
    pv = i16 ^ dd
    pd = _shuf(d_v, pv)
    pi = _shuf(i_v, pv)
    less = (pd < d_v) | ((pd == d_v) & (pi < i_v))
    if s is None:
        wm = (i16 & dd) == 0
    else:
        wm = ((i16 & s) == 0) == ((i16 & dd) == 0)
    take = wm == less
    return jnp.where(take, pd, d_v), jnp.where(take, pi, i_v)


def _bsort16(dref, iref, pos, i16):
    d_v = dref[pl.ds(pos, 16)]
    i_v = iref[pl.ds(pos, 16)]
    for s in (2, 4, 8, 16):
        dd = s // 2
        while dd >= 1:
            d_v, i_v = _bstage(d_v, i_v, s, dd, i16)
            dd //= 2
    dref[pl.ds(pos, 16)] = d_v
    iref[pl.ds(pos, 16)] = i_v


def _bmerge16(dref, iref, pos, i16):
    d_v = dref[pl.ds(pos, 16)]
    i_v = iref[pl.ds(pos, 16)]
    for dd in (8, 4, 2, 1):
        d_v, i_v = _bstage(d_v, i_v, None, dd, i16)
    dref[pl.ds(pos, 16)] = d_v
    iref[pl.ds(pos, 16)] = i_v


def _ce(dref, iref, pa, pb, rev_b):
    a_d = dref[pl.ds(pa, 16)]
    a_i = iref[pl.ds(pa, 16)]
    b_d = dref[pl.ds(pb, 16)]
    b_i = iref[pl.ds(pb, 16)]
    if rev_b:
        b_d = lax.rev(b_d, (0,))
        b_i = lax.rev(b_i, (0,))
    less = (b_d < a_d) | ((b_d == a_d) & (b_i < a_i))
    lo_d = jnp.where(less, b_d, a_d)
    lo_i = jnp.where(less, b_i, a_i)
    hi_d = jnp.where(less, a_d, b_d)
    hi_i = jnp.where(less, a_i, b_i)
    dref[pl.ds(pa, 16)] = lo_d
    iref[pl.ds(pa, 16)] = lo_i
    dref[pl.ds(pb, 16)] = hi_d
    iref[pl.ds(pb, 16)] = hi_i


def _ce_reflect_pair(dref, iref, base, L, j, jm):
    a0 = base + j * 16
    a1 = base + jm * 16
    bu = base + L + jm * 16
    bl = base + L + j * 16
    a0_d = dref[pl.ds(a0, 16)]
    a0_i = iref[pl.ds(a0, 16)]
    a1_d = dref[pl.ds(a1, 16)]
    a1_i = iref[pl.ds(a1, 16)]
    bu_d = lax.rev(dref[pl.ds(bu, 16)], (0,))
    bu_i = lax.rev(iref[pl.ds(bu, 16)], (0,))
    bl_d = lax.rev(dref[pl.ds(bl, 16)], (0,))
    bl_i = lax.rev(iref[pl.ds(bl, 16)], (0,))
    l0 = (bu_d < a0_d) | ((bu_d == a0_d) & (bu_i < a0_i))
    l1 = (bl_d < a1_d) | ((bl_d == a1_d) & (bl_i < a1_i))
    dref[pl.ds(a0, 16)] = jnp.where(l0, bu_d, a0_d)
    iref[pl.ds(a0, 16)] = jnp.where(l0, bu_i, a0_i)
    dref[pl.ds(bl, 16)] = jnp.where(l0, a0_d, bu_d)
    iref[pl.ds(bl, 16)] = jnp.where(l0, a0_i, bu_i)
    dref[pl.ds(a1, 16)] = jnp.where(l1, bl_d, a1_d)
    iref[pl.ds(a1, 16)] = jnp.where(l1, bl_i, a1_i)
    dref[pl.ds(bu, 16)] = jnp.where(l1, a1_d, bl_d)
    iref[pl.ds(bu, 16)] = jnp.where(l1, a1_i, bl_i)


def _k2_body(d2_ref, data_ref, out1_ref, out2_ref,
             xps, rowbuf, colmin, cand_d, cand_i, stage, mx16, sem):
    cid = lax.axis_index("c")
    sid = lax.axis_index("s")
    wid = sid * 2 + cid
    b = wid >> 2
    row0 = wid * ROWS_PER_TILE
    i16 = lax.iota(jnp.int32, 16)
    inf16 = jnp.full((16,), _INF, jnp.float32)

    pltpu.sync_copy(data_ref.at[b], xps)

    def row_body(r, mxacc):
        row = row0 + r
        pltpu.async_copy(d2_ref.at[row], rowbuf, sem).wait()

        def grp(g, _):
            m = inf16
            base = g * 256
            for j in range(16):
                m = jnp.minimum(m, rowbuf[pl.ds(base + j * 16, 16)])
            colmin[pl.ds(g * 16, 16)] = m
            return 0
        lax.fori_loop(0, 64, grp, 0)

        def mm(g, c):
            mn, mx = c
            v = colmin[pl.ds(g * 16, 16)]
            return jnp.minimum(mn, v), jnp.maximum(mx, v)
        mnv, mxv = lax.fori_loop(0, 64, mm, (inf16, -inf16))
        lo = jnp.min(mnv)
        hi = jnp.max(mxv)

        def bis(_, c):
            lo, hi = c
            mid = 0.5 * (lo + hi)

            def cntg(g, acc):
                v = colmin[pl.ds(g * 16, 16)]
                pc = plsc.all_reduce_population_count(v <= mid)
                return acc + pc
            acc = lax.fori_loop(0, 64, cntg, jnp.zeros((16,), jnp.int32),
                                unroll=4)
            cgt = acc[0]
            return (jnp.where(cgt >= 256, lo, mid),
                    jnp.where(cgt >= 256, mid, hi))
        lo, hi = lax.fori_loop(0, BISECT_ITERS, bis, (lo, hi))
        T = hi

        def pf(j, _):
            cand_d[pl.ds(j * 16, 16)] = inf16
            cand_i[pl.ds(j * 16, 16)] = jnp.full((16,), jnp.int32(2**31 - 1),
                                                 jnp.int32)
            return 0
        lax.fori_loop(0, (CAP + 16) // 16, pf, 0, unroll=4)

        def cmp_body(c, cnt):
            v = rowbuf[pl.ds(c * 16, 16)]
            mask = v <= T
            cw = jnp.minimum(cnt, CAP - 16)
            plsc.store_compressed(cand_d.at[pl.ds(cw, 16)], v, mask=mask)
            plsc.store_compressed(cand_i.at[pl.ds(cw, 16)], i16 + c * 16,
                                  mask=mask)
            pc = plsc.all_reduce_population_count(mask)
            return cnt + pc[0]
        cnt = lax.fori_loop(0, NCH, cmp_body, jnp.int32(0), unroll=4)
        cnt = jnp.minimum(cnt, CAP)

        def s16(j, _):
            _bsort16(cand_d, cand_i, j * 16, i16)
            return 0

        def m16(j, _):
            _bmerge16(cand_d, cand_i, j * 16, i16)
            return 0
        nv0 = (cnt + 15) >> 4
        lax.fori_loop(0, nv0, s16, 0)

        for R in (32, 64, 128, 256, 512, 1024):
            L = R // 2

            def level():
                nm = (cnt + (R - 1)) >> R.bit_length() - 1

                def merge_m(m, _):
                    base = m * R
                    if L == 16:
                        _ce(cand_d, cand_i, base, base + 16, rev_b=True)
                    else:
                        for j in range(L // 32):
                            _ce_reflect_pair(cand_d, cand_i, base, L,
                                             j, L // 16 - 1 - j)
                    d = L // 2
                    while d >= 16:
                        for b2 in range(R // (2 * d)):
                            for j in range(d // 16):
                                t = base + b2 * 2 * d + j * 16
                                _ce(cand_d, cand_i, t, t + d, rev_b=False)
                        d //= 2
                    return 0
                lax.fori_loop(0, nm, merge_m, 0)
                lax.fori_loop(0, nm * (R // 16), m16, 0)

            if R >= 512:
                @pl.when(cnt > L)
                def _():
                    level()
            else:
                level()

        third = jnp.int32(21846)

        def gat(t, accs):
            a0, a1, a2 = accs
            xv = i16 + t * 16
            kvec = (xv * third) >> 16
            cvec = xv - kvec * 3
            idxv = plsc.load_gather(cand_i, [kvec])
            src = cvec * N + idxv
            val = plsc.load_gather(xps, [src])
            stage[pl.ds(t * 16, 16)] = val
            zero = jnp.zeros((16,), jnp.float32)
            a0 = a0 + jnp.where(cvec == 0, val, zero)
            a1 = a1 + jnp.where(cvec == 1, val, zero)
            a2 = a2 + jnp.where(cvec == 2, val, zero)
            return a0, a1, a2
        z16 = jnp.zeros((16,), jnp.float32)
        a0, a1, a2 = lax.fori_loop(0, 48, gat, (z16, z16, z16), unroll=4)
        m0 = jnp.sum(a0) * (1.0 / K)
        m1 = jnp.sum(a1) * (1.0 / K)
        m2 = jnp.sum(a2) * (1.0 / K)

        def cen(t, _):
            xv = i16 + t * 16
            kvec = (xv * third) >> 16
            cvec = xv - kvec * 3
            v = stage[pl.ds(t * 16, 16)]
            mv = jnp.where(cvec == 0, m0, jnp.where(cvec == 1, m1, m2))
            stage[pl.ds(t * 16, 16)] = v - mv
            return 0
        lax.fori_loop(0, 48, cen, 0, unroll=4)

        def nsq(j, mx):
            base3 = i16 * 3 + j * 48
            p0 = plsc.load_gather(stage, [base3])
            p1 = plsc.load_gather(stage, [base3 + 1])
            p2 = plsc.load_gather(stage, [base3 + 2])
            return jnp.maximum(mx, (p0 * p0 + p1 * p1) + p2 * p2)
        mxrow = lax.fori_loop(0, 16, nsq, z16, unroll=4)

        pltpu.sync_copy(stage, out1_ref.at[row])
        return jnp.maximum(mxacc, mxrow)

    mxacc = lax.fori_loop(0, ROWS_PER_TILE, row_body, z16 := jnp.zeros((16,), jnp.float32))
    mx16[...] = mxacc
    pltpu.sync_copy(mx16, out2_ref.at[wid])


def _k2(d2v, dataflat):
    k = pl.kernel(
        _k2_body,
        out_type=(
            jax.ShapeDtypeStruct((B * P, K * D), jnp.float32),
            jax.ShapeDtypeStruct((32, 16), jnp.float32),
        ),
        mesh=_mesh,
        compiler_params=_sc_params,
        scratch_types=[
            pltpu.VMEM((D * N,), jnp.float32),
            pltpu.VMEM((N,), jnp.float32),
            pltpu.VMEM((CAP,), jnp.float32),
            pltpu.VMEM((CAP + 16,), jnp.float32),
            pltpu.VMEM((CAP + 16,), jnp.int32),
            pltpu.VMEM((K * D,), jnp.float32),
            pltpu.VMEM((16,), jnp.float32),
            pltpu.SemaphoreType.DMA,
        ],
    )
    return k(d2v, dataflat)


def _scale_body(p_ref, mx_ref, out_ref):
    m = jnp.max(mx_ref[...])
    out_ref[...] = p_ref[...] / jnp.sqrt(m)


def _k3(praw, mx):
    return pl.pallas_call(
        _scale_body,
        out_shape=jax.ShapeDtypeStruct((B * P, K * D), jnp.float32),
        grid=(8,),
        in_specs=[
            pl.BlockSpec((B * P // 8, K * D), lambda i: (i, 0)),
            pl.BlockSpec((32, 16), lambda i: (0, 0)),
        ],
        out_specs=pl.BlockSpec((B * P // 8, K * D), lambda i: (i, 0)),
    )(praw, mx)


def kernel(data, centers):
    q = _k0(data, centers).reshape(B, D, P).transpose(0, 2, 1)
    d2 = _d2_pallas(data, q)
    praw, mx = _k2(d2.reshape(B * P, N), data.reshape(B, D * N))
    out = _k3(praw, mx)
    return out.reshape(B * P, K, D)

# --- scband reference (transcript-rebuilt; emitter-appended) ---
"""Pipeline reference for scband-model-30176440222494 (READ-ONLY COPY).

The authoritative reference and input builder live on the scoring server;
editing this copy changes nothing except your own understanding.
"""

import jax, jax.numpy as jnp
import numpy as np

B, D, N = 8, 3, 16384
P = 128          # n_patches
K = 256          # k_local = patch_size ** 2

def setup_inputs(seed: int = 0) -> dict:
    key = jax.random.key(seed)
    k1, k2 = jax.random.split(key)
    data = jax.random.normal(k1, (B, D, N), dtype=jnp.float32)
    centers = jax.random.randint(k2, (P,), 0, N, dtype=jnp.int64 if jax.config.jax_enable_x64 else jnp.int32)
    return {"data": data, "centers": centers}

def reference(data, centers):
    # data: [B, 3, N] point clouds; centers: [P] indices of patch centers
    x = jnp.transpose(data, (0, 2, 1))                     # [B, N, 3]
    q = jnp.take(x, centers, axis=1)                       # [B, P, 3]  (gather centers)
    # squared euclidean distances between each query center and all points
    q2 = jnp.sum(q * q, axis=-1, keepdims=True)            # [B, P, 1]
    x2 = jnp.sum(x * x, axis=-1)[:, None, :]               # [B, 1, N]
    d2 = q2 - 2.0 * jnp.einsum('bpd,bnd->bpn', q, x) + x2  # [B, P, N]
    # knn_points: K nearest neighbors per center (smallest distance)
    _, idx = jax.lax.top_k(-d2, K)                         # [B, P, K]
    # gather neighbor coordinates (return_nn=True path)
    nn_pts = jax.vmap(lambda xb, ib: xb[ib])(x, idx)       # [B, P, K, 3]
    patches = nn_pts.reshape(B * P, K, 3)
    patches = patches - jnp.mean(patches, axis=1, keepdims=True)
    norms = jnp.linalg.norm(patches, axis=2, keepdims=True)
    patches = patches / jnp.max(norms)
    return patches

if __name__ == "__main__":
    import jax
    _d = setup_inputs()
    print(jax.jit(kernel)(*tuple(_d.values())))

</pallas_src>

<mosaic_0001>
#map = affine_map<(d0, d1) -> (0)>
module attributes {stable_mosaic.version = 14 : i64} {
  func.func @_k0_body(%arg0: i32, %arg1: i32, %arg2: memref<393216xf32, #tpu.memory_space<hbm>>, %arg3: memref<128xi32, #tpu.memory_space<hbm>>, %arg4: memref<3072xf32, #tpu.memory_space<hbm>>, %arg5: memref<128xi32, #tpu.memory_space<vmem>>, %arg6: memref<3072xi32, #tpu.memory_space<vmem>>, %arg7: memref<3072xf32, #tpu.memory_space<vmem>>, %arg8: memref<!tpu.dma_semaphore, #tpu.memory_space<semaphore_mem>>) attributes {dimension_semantics = [#tpu.dimension_semantics<core_parallel>, #tpu.dimension_semantics<subcore_parallel>], iteration_bounds = array<i64: 2, 16>, scalar_prefetch = 0 : i64, scratch_operands = 4 : i64, tpu.core_type = #tpu.core_type<sc_vector_subcore>, window_params = [{transform_indices = #map}, {transform_indices = #map}, {transform_indices = #map}]} {
    %mul3A = arith.constant 2 : i32
    %mul3A_0 = arith.muli %arg1, %mul3A : i32
    %add3A = arith.addi %mul3A_0, %arg0 : i32
    %eq3A = arith.constant 0 : i32
    %eq3A_1 = arith.cmpi eq, %add3A, %eq3A : i32
    %convert_element_type3A = arith.extui %eq3A_1 : i1 to i32
    %cond3A = arith.constant 0 : i32
    %cond3A_2 = arith.cmpi ne, %convert_element_type3A, %cond3A : i32
    scf.if %cond3A_2 {
      "tpu.region"() ({
        %run_scoped3A = tpu.sem_alloc : memref<!tpu.dma_semaphore, #tpu.memory_space<semaphore_mem>>
        tpu.enqueue_dma source(%arg3 : memref<128xi32, #tpu.memory_space<hbm>>) target(%arg5 : memref<128xi32, #tpu.memory_space<vmem>>) target_semaphore(%run_scoped3A : memref<!tpu.dma_semaphore, #tpu.memory_space<semaphore_mem>>)
        tpu.wait_dma2 semaphore(%run_scoped3A : memref<!tpu.dma_semaphore, #tpu.memory_space<semaphore_mem>>) src(%arg3 : memref<128xi32, #tpu.memory_space<hbm>>) dst(%arg5 : memref<128xi32, #tpu.memory_space<vmem>>)
        tpu.yield
      }) : () -> ()
      %get3A = arith.constant 0 : index
      %get3A_3 = tpu.vector_load %arg5[%get3A] {strides = array<i32>} : memref<128xi32, #tpu.memory_space<vmem>>, vector<16xi32>,
      %add3A_4 = arith.constant 0 : i32
      %add3A_5 = vector.broadcast %add3A_4 : i32 to vector<16xi32>
      %add3A_6 = arith.addi %get3A_3, %add3A_5 : vector<16xi32>
      %swap3A = arith.constant 0 : index
      %swap3A_7 = tpu.vector_load %arg6[%swap3A] {strides = array<i32>} : memref<3072xi32, #tpu.memory_space<vmem>>, vector<16xi32>,
      tpu.vector_store %arg6[%swap3A], %add3A_6 {strides = array<i32>} : memref<3072xi32, #tpu.memory_space<vmem>>, vector<16xi32>,
      %add3A_8 = arith.constant 16384 : i32
      %add3A_9 = vector.broadcast %add3A_8 : i32 to vector<16xi32>
      %add3A_10 = arith.addi %get3A_3, %add3A_9 : vector<16xi32>
      %swap3A_11 = arith.constant 128 : index
      %swap3A_12 = tpu.vector_load %arg6[%swap3A_11] {strides = array<i32>} : memref<3072xi32, #tpu.memory_space<vmem>>, vector<16xi32>,
      tpu.vector_store %arg6[%swap3A_11], %add3A_10 {strides = array<i32>} : memref<3072xi32, #tpu.memory_space<vmem>>, vector<16xi32>,
      %add3A_13 = arith.constant 32768 : i32
      %add3A_14 = vector.broadcast %add3A_13 : i32 to vector<16xi32>
      %add3A_15 = arith.addi %get3A_3, %add3A_14 : vector<16xi32>
      %swap3A_16 = arith.constant 256 : index
      %swap3A_17 = tpu.vector_load %arg6[%swap3A_16] {strides = array<i32>} : memref<3072xi32, #tpu.memory_space<vmem>>, vector<16xi32>,
      tpu.vector_store %arg6[%swap3A_16], %add3A_15 {strides = array<i32>} : memref<3072xi32, #tpu.memory_space<vmem>>, vector<16xi32>,
      %add3A_18 = arith.constant 49152 : i32
      %add3A_19 = vector.broadcast %add3A_18 : i32 to vector<16xi32>
      %add3A_20 = arith.addi %get3A_3, %add3A_19 : vector<16xi32>
      %swap3A_21 = arith.constant 384 : index
      %swap3A_22 = tpu.vector_load %arg6[%swap3A_21] {strides = array<i32>} : memref<3072xi32, #tpu.memory_space<vmem>>, vector<16xi32>,
      tpu.vector_store %arg6[%swap3A_21], %add3A_20 {strides = array<i32>} : memref<3072xi32, #tpu.memory_space<vmem>>, vector<16xi32>,
      %add3A_23 = arith.constant 65536 : i32
      %add3A_24 = vector.broadcast %add3A_23 : i32 to vector<16xi32>
      %add3A_25 = arith.addi %get3A_3, %add3A_24 : vector<16xi32>
      %swap3A_26 = arith.constant 512 : index
      %swap3A_27 = tpu.vector_load %arg6[%swap3A_26] {strides = array<i32>} : memref<3072xi32, #tpu.memory_space<vmem>>, vector<16xi32>,
      tpu.vector_store %arg6[%swap3A_26], %add3A_25 {strides = array<i32>} : memref<3072xi32, #tpu.memory_space<vmem>>, vector<16xi32>,
      %add3A_28 = arith.constant 81920 : i32
      %add3A_29 = vector.broadcast %add3A_28 : i32 to vector<16xi32>
      %add3A_30 = arith.addi %get3A_3, %add3A_29 : vector<16xi32>
      %swap3A_31 = arith.constant 640 : index
      %swap3A_32 = tpu.vector_load %arg6[%swap3A_31] {strides = array<i32>} : memref<3072xi32, #tpu.memory_space<vmem>>, vector<16xi32>,
      tpu.vector_store %arg6[%swap3A_31], %add3A_30 {strides = array<i32>} : memref<3072xi32, #tpu.memory_space<vmem>>, vector<16xi32>,
      %add3A_33 = arith.constant 98304 : i32
      %add3A_34 = vector.broadcast %add3A_33 : i32 to vector<16xi32>
      %add3A_35 = arith.addi %get3A_3, %add3A_34 : vector<16xi32>
      %swap3A_36 = arith.constant 768 : index
      %swap3A_37 = tpu.vector_load %arg6[%swap3A_36] {strides = array<i32>} : memref<3072xi32, #tpu.memory_space<vmem>>, vector<16xi32>,
      tpu.vector_store %arg6[%swap3A_36], %add3A_35 {strides = array<i32>} : memref<3072xi32, #tpu.memory_space<vmem>>, vector<16xi32>,
      %add3A_38 = arith.constant 114688 : i32
      %add3A_39 = vector.broadcast %add3A_38 : i32 to vector<16xi32>
      %add3A_40 = arith.addi %get3A_3, %add3A_39 : vector<16xi32>
      %swap3A_41 = arith.constant 896 : index
      %swap3A_42 = tpu.vector_load %arg6[%swap3A_41] {strides = array<i32>} : memref<3072xi32, #tpu.memory_space<vmem>>, vector<16xi32>,
      tpu.vector_store %arg6[%swap3A_41], %add3A_40 {strides = array<i32>} : memref<3072xi32, #tpu.memory_space<vmem>>, vector<16xi32>,
      %add3A_43 = arith.constant 131072 : i32
      %add3A_44 = vector.broadcast %add3A_43 : i32 to vector<16xi32>
      %add3A_45 = arith.addi %get3A_3, %add3A_44 : vector<16xi32>
      %swap3A_46 = arith.constant 1024 : index
      %swap3A_47 = tpu.vector_load %arg6[%swap3A_46] {strides = array<i32>} : memref<3072xi32, #tpu.memory_space<vmem>>, vector<16xi32>,
      tpu.vector_store %arg6[%swap3A_46], %add3A_45 {strides = array<i32>} : memref<3072xi32, #tpu.memory_space<vmem>>, vector<16xi32>,
      %add3A_48 = arith.constant 147456 : i32
      %add3A_49 = vector.broadcast %add3A_48 : i32 to vector<16xi32>
      %add3A_50 = arith.addi %get3A_3, %add3A_49 : vector<16xi32>
      %swap3A_51 = arith.constant 1152 : index
      %swap3A_52 = tpu.vector_load %arg6[%swap3A_51] {strides = array<i32>} : memref<3072xi32, #tpu.memory_space<vmem>>, vector<16xi32>,
      tpu.vector_store %arg6[%swap3A_51], %add3A_50 {strides = array<i32>} : memref<3072xi32, #tpu.memory_space<vmem>>, vector<16xi32>,
      %add3A_53 = arith.constant 163840 : i32
      %add3A_54 = vector.broadcast %add3A_53 : i32 to vector<16xi32>
      %add3A_55 = arith.addi %get3A_3, %add3A_54 : vector<16xi32>
      %swap3A_56 = arith.constant 1280 : index
      %swap3A_57 = tpu.vector_load %arg6[%swap3A_56] {strides = array<i32>} : memref<3072xi32, #tpu.memory_space<vmem>>, vector<16xi32>,
      tpu.vector_store %arg6[%swap3A_56], %add3A_55 {strides = array<i32>} : memref<3072xi32, #tpu.memory_space<vmem>>, vector<16xi32>,
      %add3A_58 = arith.constant 180224 : i32
      %add3A_59 = vector.broadcast %add3A_58 : i32 to vector<16xi32>
      %add3A_60 = arith.addi %get3A_3, %add3A_59 : vector<16xi32>
      %swap3A_61 = arith.constant 1408 : index
      %swap3A_62 = tpu.vector_load %arg6[%swap3A_61] {strides = array<i32>} : memref<3072xi32, #tpu.memory_space<vmem>>, vector<16xi32>,
      tpu.vector_store %arg6[%swap3A_61], %add3A_60 {strides = array<i32>} : memref<3072xi32, #tpu.memory_space<vmem>>, vector<16xi32>,
      %add3A_63 = arith.constant 196608 : i32
      %add3A_64 = vector.broadcast %add3A_63 : i32 to vector<16xi32>
      %add3A_65 = arith.addi %get3A_3, %add3A_64 : vector<16xi32>
      %swap3A_66 = arith.constant 1536 : index
      %swap3A_67 = tpu.vector_load %arg6[%swap3A_66] {strides = array<i32>} : memref<3072xi32, #tpu.memory_space<vmem>>, vector<16xi32>,
      tpu.vector_store %arg6[%swap3A_66], %add3A_65 {strides = array<i32>} : memref<3072xi32, #tpu.memory_space<vmem>>, vector<16xi32>,
      %add3A_68 = arith.constant 212992 : i32
      %add3A_69 = vector.broadcast %add3A_68 : i32 to vector<16xi32>
      %add3A_70 = arith.addi %get3A_3, %add3A_69 : vector<16xi32>
      %swap3A_71 = arith.constant 1664 : index
      %swap3A_72 = tpu.vector_load %arg6[%swap3A_71] {strides = array<i32>} : memref<3072xi32, #tpu.memory_space<vmem>>, vector<16xi32>,
      tpu.vector_store %arg6[%swap3A_71], %add3A_70 {strides = array<i32>} : memref<3072xi32, #tpu.memory_space<vmem>>, vector<16xi32>,
      %add3A_73 = arith.constant 229376 : i32
      %add3A_74 = vector.broadcast %add3A_73 : i32 to vector<16xi32>
      %add3A_75 = arith.addi %get3A_3, %add3A_74 : vector<16xi32>
      %swap3A_76 = arith.constant 1792 : index
      %swap3A_77 = tpu.vector_load %arg6[%swap3A_76] {strides = array<i32>} : memref<3072xi32, #tpu.memory_space<vmem>>, vector<16xi32>,
      tpu.vector_store %arg6[%swap3A_76], %add3A_75 {strides = array<i32>} : memref<3072xi32, #tpu.memory_space<vmem>>, vector<16xi32>,
      %add3A_78 = arith.constant 245760 : i32
      %add3A_79 = vector.broadcast %add3A_78 : i32 to vector<16xi32>
      %add3A_80 = arith.addi %get3A_3, %add3A_79 : vector<16xi32>
      %swap3A_81 = arith.constant 1920 : index
      %swap3A_82 = tpu.vector_load %arg6[%swap3A_81] {strides = array<i32>} : memref<3072xi32, #tpu.memory_space<vmem>>, vector<16xi32>,
      tpu.vector_store %arg6[%swap3A_81], %add3A_80 {strides = array<i32>} : memref<3072xi32, #tpu.memory_space<vmem>>, vector<16xi32>,
      %add3A_83 = arith.constant 262144 : i32
      %add3A_84 = vector.broadcast %add3A_83 : i32 to vector<16xi32>
      %add3A_85 = arith.addi %get3A_3, %add3A_84 : vector<16xi32>
      %swap3A_86 = arith.constant 2048 : index
      %swap3A_87 = tpu.vector_load %arg6[%swap3A_86] {strides = array<i32>} : memref<3072xi32, #tpu.memory_space<vmem>>, vector<16xi32>,
      tpu.vector_store %arg6[%swap3A_86], %add3A_85 {strides = array<i32>} : memref<3072xi32, #tpu.memory_space<vmem>>, vector<16xi32>,
      %add3A_88 = arith.constant 278528 : i32
      %add3A_89 = vector.broadcast %add3A_88 : i32 to vector<16xi32>
      %add3A_90 = arith.addi %get3A_3, %add3A_89 : vector<16xi32>
      %swap3A_91 = arith.constant 2176 : index
      %swap3A_92 = tpu.vector_load %arg6[%swap3A_91] {strides = array<i32>} : memref<3072xi32, #tpu.memory_space<vmem>>, vector<16xi32>,
      tpu.vector_store %arg6[%swap3A_91], %add3A_90 {strides = array<i32>} : memref<3072xi32, #tpu.memory_space<vmem>>, vector<16xi32>,
      %add3A_93 = arith.constant 294912 : i32
      %add3A_94 = vector.broadcast %add3A_93 : i32 to vector<16xi32>
      %add3A_95 = arith.addi %get3A_3, %add3A_94 : vector<16xi32>
      %swap3A_96 = arith.constant 2304 : index
      %swap3A_97 = tpu.vector_load %arg6[%swap3A_96] {strides = array<i32>} : memref<3072xi32, #tpu.memory_space<vmem>>, vector<16xi32>,
      tpu.vector_store %arg6[%swap3A_96], %add3A_95 {strides = array<i32>} : memref<3072xi32, #tpu.memory_space<vmem>>, vector<16xi32>,
      %add3A_98 = arith.constant 311296 : i32
      %add3A_99 = vector.broadcast %add3A_98 : i32 to vector<16xi32>
      %add3A_100 = arith.addi %get3A_3, %add3A_99 : vector<16xi32>
      %swap3A_101 = arith.constant 2432 : index
      %swap3A_102 = tpu.vector_load %arg6[%swap3A_101] {strides = array<i32>} : memref<3072xi32, #tpu.memory_space<vmem>>, vector<16xi32>,
      tpu.vector_store %arg6[%swap3A_101], %add3A_100 {strides = array<i32>} : memref<3072xi32, #tpu.memory_space<vmem>>, vector<16xi32>,
      %add3A_103 = arith.constant 327680 : i32
      %add3A_104 = vector.broadcast %add3A_103 : i32 to vector<16xi32>
      %add3A_105 = arith.addi %get3A_3, %add3A_104 : vector<16xi32>
      %swap3A_106 = arith.constant 2560 : index
      %swap3A_107 = tpu.vector_load %arg6[%swap3A_106] {strides = array<i32>} : memref<3072xi32, #tpu.memory_space<vmem>>, vector<16xi32>,
      tpu.vector_store %arg6[%swap3A_106], %add3A_105 {strides = array<i32>} : memref<3072xi32, #tpu.memory_space<vmem>>, vector<16xi32>,
      %add3A_108 = arith.constant 344064 : i32
      %add3A_109 = vector.broadcast %add3A_108 : i32 to vector<16xi32>
      %add3A_110 = arith.addi %get3A_3, %add3A_109 : vector<16xi32>
      %swap3A_111 = arith.constant 2688 : index
      %swap3A_112 = tpu.vector_load %arg6[%swap3A_111] {strides = array<i32>} : memref<3072xi32, #tpu.memory_space<vmem>>, vector<16xi32>,
      tpu.vector_store %arg6[%swap3A_111], %add3A_110 {strides = array<i32>} : memref<3072xi32, #tpu.memory_space<vmem>>, vector<16xi32>,
      %add3A_113 = arith.constant 360448 : i32
      %add3A_114 = vector.broadcast %add3A_113 : i32 to vector<16xi32>
      %add3A_115 = arith.addi %get3A_3, %add3A_114 : vector<16xi32>
      %swap3A_116 = arith.constant 2816 : index
      %swap3A_117 = tpu.vector_load %arg6[%swap3A_116] {strides = array<i32>} : memref<3072xi32, #tpu.memory_space<vmem>>, vector<16xi32>,
      tpu.vector_store %arg6[%swap3A_116], %add3A_115 {strides = array<i32>} : memref<3072xi32, #tpu.memory_space<vmem>>, vector<16xi32>,
      %add3A_118 = arith.constant 376832 : i32
      %add3A_119 = vector.broadcast %add3A_118 : i32 to vector<16xi32>
      %add3A_120 = arith.addi %get3A_3, %add3A_119 : vector<16xi32>
      %swap3A_121 = arith.constant 2944 : index
      %swap3A_122 = tpu.vector_load %arg6[%swap3A_121] {strides = array<i32>} : memref<3072xi32, #tpu.memory_space<vmem>>, vector<16xi32>,
      tpu.vector_store %arg6[%swap3A_121], %add3A_120 {strides = array<i32>} : memref<3072xi32, #tpu.memory_space<vmem>>, vector<16xi32>,
      %get3A_123 = arith.constant 16 : index
      %get3A_124 = tpu.vector_load %arg5[%get3A_123] {strides = array<i32>} : memref<128xi32, #tpu.memory_space<vmem>>, vector<16xi32>,
      %add3A_125 = arith.constant 0 : i32
      %add3A_126 = vector.broadcast %add3A_125 : i32 to vector<16xi32>
      %add3A_127 = arith.addi %get3A_124, %add3A_126 : vector<16xi32>
      %swap3A_128 = arith.constant 16 : index
      %swap3A_129 = tpu.vector_load %arg6[%swap3A_128] {strides = array<i32>} : memref<3072xi32, #tpu.memory_space<vmem>>, vector<16xi32>,
      tpu.vector_store %arg6[%swap3A_128], %add3A_127 {strides = array<i32>} : memref<3072xi32, #tpu.memory_space<vmem>>, vector<16xi32>,
      %add3A_130 = arith.constant 16384 : i32
      %add3A_131 = vector.broadcast %add3A_130 : i32 to vector<16xi32>
      %add3A_132 = arith.addi %get3A_124, %add3A_131 : vector<16xi32>
      %swap3A_133 = arith.constant 144 : index
      %swap3A_134 = tpu.vector_load %arg6[%swap3A_133] {strides = array<i32>} : memref<3072xi32, #tpu.memory_space<vmem>>, vector<16xi32>,
      tpu.vector_store %arg6[%swap3A_133], %add3A_132 {strides = array<i32>} : memref<3072xi32, #tpu.memory_space<vmem>>, vector<16xi32>,
      %add3A_135 = arith.constant 32768 : i32
      %add3A_136 = vector.broadcast %add3A_135 : i32 to vector<16xi32>
      %add3A_137 = arith.addi %get3A_124, %add3A_136 : vector<16xi32>
      %swap3A_138 = arith.constant 272 : index
      %swap3A_139 = tpu.vector_load %arg6[%swap3A_138] {strides = array<i32>} : memref<3072xi32, #tpu.memory_space<vmem>>, vector<16xi32>,
      tpu.vector_store %arg6[%swap3A_138], %add3A_137 {strides = array<i32>} : memref<3072xi32, #tpu.memory_space<vmem>>, vector<16xi32>,
      %add3A_140 = arith.constant 49152 : i32
      %add3A_141 = vector.broadcast %add3A_140 : i32 to vector<16xi32>
      %add3A_142 = arith.addi %get3A_124, %add3A_141 : vector<16xi32>
      %swap3A_143 = arith.constant 400 : index
      %swap3A_144 = tpu.vector_load %arg6[%swap3A_143] {strides = array<i32>} : memref<3072xi32, #tpu.memory_space<vmem>>, vector<16xi32>,
      tpu.vector_store %arg6[%swap3A_143], %add3A_142 {strides = array<i32>} : memref<3072xi32, #tpu.memory_space<vmem>>, vector<16xi32>,
      %add3A_145 = arith.constant 65536 : i32
      %add3A_146 = vector.broadcast %add3A_145 : i32 to vector<16xi32>
      %add3A_147 = arith.addi %get3A_124, %add3A_146 : vector<16xi32>
      %swap3A_148 = arith.constant 528 : index
      %swap3A_149 = tpu.vector_load %arg6[%swap3A_148] {strides = array<i32>} : memref<3072xi32, #tpu.memory_space<vmem>>, vector<16xi32>,
      tpu.vector_store %arg6[%swap3A_148], %add3A_147 {strides = array<i32>} : memref<3072xi32, #tpu.memory_space<vmem>>, vector<16xi32>,
      %add3A_150 = arith.constant 81920 : i32
      %add3A_151 = vector.broadcast %add3A_150 : i32 to vector<16xi32>
      %add3A_152 = arith.addi %get3A_124, %add3A_151 : vector<16xi32>
      %swap3A_153 = arith.constant 656 : index
      %swap3A_154 = tpu.vector_load %arg6[%swap3A_153] {strides = array<i32>} : memref<3072xi32, #tpu.memory_space<vmem>>, vector<16xi32>,
      tpu.vector_store %arg6[%swap3A_153], %add3A_152 {strides = array<i32>} : memref<3072xi32, #tpu.memory_space<vmem>>, vector<16xi32>,
      %add3A_155 = arith.constant 98304 : i32
      %add3A_156 = vector.broadcast %add3A_155 : i32 to vector<16xi32>
      %add3A_157 = arith.addi %get3A_124, %add3A_156 : vector<16xi32>
      %swap3A_158 = arith.constant 784 : index
      %swap3A_159 = tpu.vector_load %arg6[%swap3A_158] {strides = array<i32>} : memref<3072xi32, #tpu.memory_space<vmem>>, vector<16xi32>,
      tpu.vector_store %arg6[%swap3A_158], %add3A_157 {strides = array<i32>} : memref<3072xi32, #tpu.memory_space<vmem>>, vector<16xi32>,
      %add3A_160 = arith.constant 114688 : i32
      %add3A_161 = vector.broadcast %add3A_160 : i32 to vector<16xi32>
      %add3A_162 = arith.addi %get3A_124, %add3A_161 : vector<16xi32>
      %swap3A_163 = arith.constant 912 : index
      %swap3A_164 = tpu.vector_load %arg6[%swap3A_163] {strides = array<i32>} : memref<3072xi32, #tpu.memory_space<vmem>>, vector<16xi32>,
      tpu.vector_store %arg6[%swap3A_163], %add3A_162 {strides = array<i32>} : memref<3072xi32, #tpu.memory_space<vmem>>, vector<16xi32>,
      %add3A_165 = arith.constant 131072 : i32
      %add3A_166 = vector.broadcast %add3A_165 : i32 to vector<16xi32>
      %add3A_167 = arith.addi %get3A_124, %add3A_166 : vector<16xi32>
      %swap3A_168 = arith.constant 1040 : index
      %swap3A_169 = tpu.vector_load %arg6[%swap3A_168] {strides = array<i32>} : memref<3072xi32, #tpu.memory_space<vmem>>, vector<16xi32>,
      tpu.vector_store %arg6[%swap3A_168], %add3A_167 {strides = array<i32>} : memref<3072xi32, #tpu.memory_space<vmem>>, vector<16xi32>,
      %add3A_170 = arith.constant 147456 : i32
      %add3A_171 = vector.broadcast %add3A_170 : i32 to vector<16xi32>
      %add3A_172 = arith.addi %get3A_124, %add3A_171 : vector<16xi32>
      %swap3A_173 = arith.constant 1168 : index
      %swap3A_174 = tpu.vector_load %arg6[%swap3A_173] {strides = array<i32>} : memref<3072xi32, #tpu.memory_space<vmem>>, vector<16xi32>,
      tpu.vector_store %arg6[%swap3A_173], %add3A_172 {strides = array<i32>} : memref<3072xi32, #tpu.memory_space<vmem>>, vector<16xi32>,
      %add3A_175 = arith.constant 163840 : i32
      %add3A_176 = vector.broadcast %add3A_175 : i32 to vector<16xi32>
      %add3A_177 = arith.addi %get3A_124, %add3A_176 : vector<16xi32>
      %swap3A_178 = arith.constant 1296 : index
      %swap3A_179 = tpu.vector_load %arg6[%swap3A_178] {strides = array<i32>} : memref<3072xi32, #tpu.memory_space<vmem>>, vector<16xi32>,
      tpu.vector_store %arg6[%swap3A_178], %add3A_177 {strides = array<i32>} : memref<3072xi32, #tpu.memory_space<vmem>>, vector<16xi32>,
      %add3A_180 = arith.constant 180224 : i32
      %add3A_181 = vector.broadcast %add3A_180 : i32 to vector<16xi32>
      %add3A_182 = arith.addi %get3A_124, %add3A_181 : vector<16xi32>
      %swap3A_183 = arith.constant 1424 : index
      %swap3A_184 = tpu.vector_load %arg6[%swap3A_183] {strides = array<i32>} : memref<3072xi32, #tpu.memory_space<vmem>>, vector<16xi32>,
      tpu.vector_store %arg6[%swap3A_183], %add3A_182 {strides = array<i32>} : memref<3072xi32, #tpu.memory_space<vmem>>, vector<16xi32>,
      %add3A_185 = arith.constant 196608 : i32
      %add3A_186 = vector.broadcast %add3A_185 : i32 to vector<16xi32>
      %add3A_187 = arith.addi %get3A_124, %add3A_186 : vector<16xi32>
      %swap3A_188 = arith.constant 1552 : index
      %swap3A_189 = tpu.vector_load %arg6[%swap3A_188] {strides = array<i32>} : memref<3072xi32, #tpu.memory_space<vmem>>, vector<16xi32>,
      tpu.vector_store %arg6[%swap3A_188], %add3A_187 {strides = array<i32>} : memref<3072xi32, #tpu.memory_space<vmem>>, vector<16xi32>,
      %add3A_190 = arith.constant 212992 : i32
      %add3A_191 = vector.broadcast %add3A_190 : i32 to vector<16xi32>
      %add3A_192 = arith.addi %get3A_124, %add3A_191 : vector<16xi32>
      %swap3A_193 = arith.constant 1680 : index
      %swap3A_194 = tpu.vector_load %arg6[%swap3A_193] {strides = array<i32>} : memref<3072xi32, #tpu.memory_space<vmem>>, vector<16xi32>,
      tpu.vector_store %arg6[%swap3A_193], %add3A_192 {strides = array<i32>} : memref<3072xi32, #tpu.memory_space<vmem>>, vector<16xi32>,
      %add3A_195 = arith.constant 229376 : i32
      %add3A_196 = vector.broadcast %add3A_195 : i32 to vector<16xi32>
      %add3A_197 = arith.addi %get3A_124, %add3A_196 : vector<16xi32>
      %swap3A_198 = arith.constant 1808 : index
      %swap3A_199 = tpu.vector_load %arg6[%swap3A_198] {strides = array<i32>} : memref<3072xi32, #tpu.memory_space<vmem>>, vector<16xi32>,
      tpu.vector_store %arg6[%swap3A_198], %add3A_197 {strides = array<i32>} : memref<3072xi32, #tpu.memory_space<vmem>>, vector<16xi32>,
      %add3A_200 = arith.constant 245760 : i32
      %add3A_201 = vector.broadcast %add3A_200 : i32 to vector<16xi32>
      %add3A_202 = arith.addi %get3A_124, %add3A_201 : vector<16xi32>
      %swap3A_203 = arith.constant 1936 : index
      %swap3A_204 = tpu.vector_load %arg6[%swap3A_203] {strides = array<i32>} : memref<3072xi32, #tpu.memory_space<vmem>>, vector<16xi32>,
      tpu.vector_store %arg6[%swap3A_203], %add3A_202 {strides = array<i32>} : memref<3072xi32, #tpu.memory_space<vmem>>, vector<16xi32>,
      %add3A_205 = arith.constant 262144 : i32
      %add3A_206 = vector.broadcast %add3A_205 : i32 to vector<16xi32>
      %add3A_207 = arith.addi %get3A_124, %add3A_206 : vector<16xi32>
      %swap3A_208 = arith.constant 2064 : index
      %swap3A_209 = tpu.vector_load %arg6[%swap3A_208] {strides = array<i32>} : memref<3072xi32, #tpu.memory_space<vmem>>, vector<16xi32>,
      tpu.vector_store %arg6[%swap3A_208], %add3A_207 {strides = array<i32>} : memref<3072xi32, #tpu.memory_space<vmem>>, vector<16xi32>,
      %add3A_210 = arith.constant 278528 : i32
      %add3A_211 = vector.broadcast %add3A_210 : i32 to vector<16xi32>
      %add3A_212 = arith.addi %get3A_124, %add3A_211 : vector<16xi32>
      %swap3A_213 = arith.constant 2192 : index
      %swap3A_214 = tpu.vector_load %arg6[%swap3A_213] {strides = array<i32>} : memref<3072xi32, #tpu.memory_space<vmem>>, vector<16xi32>,
      tpu.vector_store %arg6[%swap3A_213], %add3A_212 {strides = array<i32>} : memref<3072xi32, #tpu.memory_space<vmem>>, vector<16xi32>,
      %add3A_215 = arith.constant 294912 : i32
      %add3A_216 = vector.broadcast %add3A_215 : i32 to vector<16xi32>
      %add3A_217 = arith.addi %get3A_124, %add3A_216 : vector<16xi32>
      %swap3A_218 = arith.constant 2320 : index
      %swap3A_219 = tpu.vector_load %arg6[%swap3A_218] {strides = array<i32>} : memref<3072xi32, #tpu.memory_space<vmem>>, vector<16xi32>,
      tpu.vector_store %arg6[%swap3A_218], %add3A_217 {strides = array<i32>} : memref<3072xi32, #tpu.memory_space<vmem>>, vector<16xi32>,
      %add3A_220 = arith.constant 311296 : i32
      %add3A_221 = vector.broadcast %add3A_220 : i32 to vector<16xi32>
      %add3A_222 = arith.addi %get3A_124, %add3A_221 : vector<16xi32>
      %swap3A_223 = arith.constant 2448 : index
      %swap3A_224 = tpu.vector_load %arg6[%swap3A_223] {strides = array<i32>} : memref<3072xi32, #tpu.memory_space<vmem>>, vector<16xi32>,
      tpu.vector_store %arg6[%swap3A_223], %add3A_222 {strides = array<i32>} : memref<3072xi32, #tpu.memory_space<vmem>>, vector<16xi32>,
      %add3A_225 = arith.constant 327680 : i32
      %add3A_226 = vector.broadcast %add3A_225 : i32 to vector<16xi32>
      %add3A_227 = arith.addi %get3A_124, %add3A_226 : vector<16xi32>
      %swap3A_228 = arith.constant 2576 : index
      %swap3A_229 = tpu.vector_load %arg6[%swap3A_228] {strides = array<i32>} : memref<3072xi32, #tpu.memory_space<vmem>>, vector<16xi32>,
      tpu.vector_store %arg6[%swap3A_228], %add3A_227 {strides = array<i32>} : memref<3072xi32, #tpu.memory_space<vmem>>, vector<16xi32>,
      %add3A_230 = arith.constant 344064 : i32
      %add3A_231 = vector.broadcast %add3A_230 : i32 to vector<16xi32>
      %add3A_232 = arith.addi %get3A_124, %add3A_231 : vector<16xi32>
      %swap3A_233 = arith.constant 2704 : index
      %swap3A_234 = tpu.vector_load %arg6[%swap3A_233] {strides = array<i32>} : memref<3072xi32, #tpu.memory_space<vmem>>, vector<16xi32>,
      tpu.vector_store %arg6[%swap3A_233], %add3A_232 {strides = array<i32>} : memref<3072xi32, #tpu.memory_space<vmem>>, vector<16xi32>,
      %add3A_235 = arith.constant 360448 : i32
      %add3A_236 = vector.broadcast %add3A_235 : i32 to vector<16xi32>
      %add3A_237 = arith.addi %get3A_124, %add3A_236 : vector<16xi32>
      %swap3A_238 = arith.constant 2832 : index
      %swap3A_239 = tpu.vector_load %arg6[%swap3A_238] {strides = array<i32>} : memref<3072xi32, #tpu.memory_space<vmem>>, vector<16xi32>,
      tpu.vector_store %arg6[%swap3A_238], %add3A_237 {strides = array<i32>} : memref<3072xi32, #tpu.memory_space<vmem>>, vector<16xi32>,
      %add3A_240 = arith.constant 376832 : i32
      %add3A_241 = vector.broadcast %add3A_240 : i32 to vector<16xi32>
      %add3A_242 = arith.addi %get3A_124, %add3A_241 : vector<16xi32>
      %swap3A_243 = arith.constant 2960 : index
      %swap3A_244 = tpu.vector_load %arg6[%swap3A_243] {strides = array<i32>} : memref<3072xi32, #tpu.memory_space<vmem>>, vector<16xi32>,
      tpu.vector_store %arg6[%swap3A_243], %add3A_242 {strides = array<i32>} : memref<3072xi32, #tpu.memory_space<vmem>>, vector<16xi32>,
      %get3A_245 = arith.constant 32 : index
      %get3A_246 = tpu.vector_load %arg5[%get3A_245] {strides = array<i32>} : memref<128xi32, #tpu.memory_space<vmem>>, vector<16xi32>,
      %add3A_247 = arith.constant 0 : i32
      %add3A_248 = vector.broadcast %add3A_247 : i32 to vector<16xi32>
      %add3A_249 = arith.addi %get3A_246, %add3A_248 : vector<16xi32>
      %swap3A_250 = arith.constant 32 : index
      %swap3A_251 = tpu.vector_load %arg6[%swap3A_250] {strides = array<i32>} : memref<3072xi32, #tpu.memory_space<vmem>>, vector<16xi32>,
      tpu.vector_store %arg6[%swap3A_250], %add3A_249 {strides = array<i32>} : memref<3072xi32, #tpu.memory_space<vmem>>, vector<16xi32>,
      %add3A_252 = arith.constant 16384 : i32
      %add3A_253 = vector.broadcast %add3A_252 : i32 to vector<16xi32>
      %add3A_254 = arith.addi %get3A_246, %add3A_253 : vector<16xi32>
      %swap3A_255 = arith.constant 160 : index
      %swap3A_256 = tpu.vector_load %arg6[%swap3A_255] {strides = array<i32>} : memref<3072xi32, #tpu.memory_space<vmem>>, vector<16xi32>,
      tpu.vector_store %arg6[%swap3A_255], %add3A_254 {strides = array<i32>} : memref<3072xi32, #tpu.memory_space<vmem>>, vector<16xi32>,
      %add3A_257 = arith.constant 32768 : i32
      %add3A_258 = vector.broadcast %add3A_257 : i32 to vector<16xi32>
      %add3A_259 = arith.addi %get3A_246, %add3A_258 : vector<16xi32>
      %swap3A_260 = arith.constant 288 : index
      %swap3A_261 = tpu.vector_load %arg6[%swap3A_260] {strides = array<i32>} : memref<3072xi32, #tpu.memory_space<vmem>>, vector<16xi32>,
      tpu.vector_store %arg6[%swap3A_260], %add3A_259 {strides = array<i32>} : memref<3072xi32, #tpu.memory_space<vmem>>, vector<16xi32>,
      %add3A_262 = arith.constant 49152 : i32
      %add3A_263 = vector.broadcast %add3A_262 : i32 to vector<16xi32>
      %add3A_264 = arith.addi %get3A_246, %add3A_263 : vector<16xi32>
      %swap3A_265 = arith.constant 416 : index
      %swap3A_266 = tpu.vector_load %arg6[%swap3A_265] {strides = array<i32>} : memref<3072xi32, #tpu.memory_space<vmem>>, vector<16xi32>,
      tpu.vector_store %arg6[%swap3A_265], %add3A_264 {strides = array<i32>} : memref<3072xi32, #tpu.memory_space<vmem>>, vector<16xi32>,
      %add3A_267 = arith.constant 65536 : i32
      %add3A_268 = vector.broadcast %add3A_267 : i32 to vector<16xi32>
      %add3A_269 = arith.addi %get3A_246, %add3A_268 : vector<16xi32>
      %swap3A_270 = arith.constant 544 : index
      %swap3A_271 = tpu.vector_load %arg6[%swap3A_270] {strides = array<i32>} : memref<3072xi32, #tpu.memory_space<vmem>>, vector<16xi32>,
      tpu.vector_store %arg6[%swap3A_270], %add3A_269 {strides = array<i32>} : memref<3072xi32, #tpu.memory_space<vmem>>, vector<16xi32>,
      %add3A_272 = arith.constant 81920 : i32
      %add3A_273 = vector.broadcast %add3A_272 : i32 to vector<16xi32>
      %add3A_274 = arith.addi %get3A_246, %add3A_273 : vector<16xi32>
      %swap3A_275 = arith.constant 672 : index
      %swap3A_276 = tpu.vector_load %arg6[%swap3A_275] {strides = array<i32>} : memref<3072xi32, #tpu.memory_space<vmem>>, vector<16xi32>,
      tpu.vector_store %arg6[%swap3A_275], %add3A_274 {strides = array<i32>} : memref<3072xi32, #tpu.memory_space<vmem>>, vector<16xi32>,
      %add3A_277 = arith.constant 98304 : i32
      %add3A_278 = vector.broadcast %add3A_277 : i32 to vector<16xi32>
      %add3A_279 = arith.addi %get3A_246, %add3A_278 : vector<16xi32>
      %swap3A_280 = arith.constant 800 : index
      %swap3A_281 = tpu.vector_load %arg6[%swap3A_280] {strides = array<i32>} : memref<3072xi32, #tpu.memory_space<vmem>>, vector<16xi32>,
      tpu.vector_store %arg6[%swap3A_280], %add3A_279 {strides = array<i32>} : memref<3072xi32, #tpu.memory_space<vmem>>, vector<16xi32>,
      %add3A_282 = arith.constant 114688 : i32
      %add3A_283 = vector.broadcast %add3A_282 : i32 to vector<16xi32>
      %add3A_284 = arith.addi %get3A_246, %add3A_283 : vector<16xi32>
      %swap3A_285 = arith.constant 928 : index
      %swap3A_286 = tpu.vector_load %arg6[%swap3A_285] {strides = array<i32>} : memref<3072xi32, #tpu.memory_space<vmem>>, vector<16xi32>,
      tpu.vector_store %arg6[%swap3A_285], %add3A_284 {strides = array<i32>} : memref<3072xi32, #tpu.memory_space<vmem>>, vector<16xi32>,
      %add3A_287 = arith.constant 131072 : i32
      %add3A_288 = vector.broadcast %add3A_287 : i32 to vector<16xi32>
      %add3A_289 = arith.addi %get3A_246, %add3A_288 : vector<16xi32>
      %swap3A_290 = arith.constant 1056 : index
      %swap3A_291 = tpu.vector_load %arg6[%swap3A_290] {strides = array<i32>} : memref<3072xi32, #tpu.memory_space<vmem>>, vector<16xi32>,
      tpu.vector_store %arg6[%swap3A_290], %add3A_289 {strides = array<i32>} : memref<3072xi32, #tpu.memory_space<vmem>>, vector<16xi32>,
      %add3A_292 = arith.constant 147456 : i32
      %add3A_293 = vector.broadcast %add3A_292 : i32 to vector<16xi32>
      %add3A_294 = arith.addi %get3A_246, %add3A_293 : vector<16xi32>
      %swap3A_295 = arith.constant 1184 : index
      %swap3A_296 = tpu.vector_load %arg6[%swap3A_295] {strides = array<i32>} : memref<3072xi32, #tpu.memory_space<vmem>>, vector<16xi32>,
      tpu.vector_store %arg6[%swap3A_295], %add3A_294 {strides = array<i32>} : memref<3072xi32, #tpu.memory_space<vmem>>, vector<16xi32>,
      %add3A_297 = arith.constant 163840 : i32
      %add3A_298 = vector.broadcast %add3A_297 : i32 to vector<16xi32>
      %add3A_299 = arith.addi %get3A_246, %add3A_298 : vector<16xi32>
      %swap3A_300 = arith.constant 1312 : index
      %swap3A_301 = tpu.vector_load %arg6[%swap3A_300] {strides = array<i32>} : memref<3072xi32, #tpu.memory_space<vmem>>, vector<16xi32>,
      tpu.vector_store %arg6[%swap3A_300], %add3A_299 {strides = array<i32>} : memref<3072xi32, #tpu.memory_space<vmem>>, vector<16xi32>,
      %add3A_302 = arith.constant 180224 : i32
      %add3A_303 = vector.broadcast %add3A_302 : i32 to vector<16xi32>
      %add3A_304 = arith.addi %get3A_246, %add3A_303 : vector<16xi32>
      %swap3A_305 = arith.constant 1440 : index
      %swap3A_306 = tpu.vector_load %arg6[%swap3A_305] {strides = array<i32>} : memref<3072xi32, #tpu.memory_space<vmem>>, vector<16xi32>,
      tpu.vector_store %arg6[%swap3A_305], %add3A_304 {strides = array<i32>} : memref<3072xi32, #tpu.memory_space<vmem>>, vector<16xi32>,
      %add3A_307 = arith.constant 196608 : i32
      %add3A_308 = vector.broadcast %add3A_307 : i32 to vector<16xi32>
      %add3A_309 = arith.addi %get3A_246, %add3A_308 : vector<16xi32>
      %swap3A_310 = arith.constant 1568 : index
      %swap3A_311 = tpu.vector_load %arg6[%swap3A_310] {strides = array<i32>} : memref<3072xi32, #tpu.memory_space<vmem>>, vector<16xi32>,
      tpu.vector_store %arg6[%swap3A_310], %add3A_309 {strides = array<i32>} : memref<3072xi32, #tpu.memory_space<vmem>>, vector<16xi32>,
      %add3A_312 = arith.constant 212992 : i32
      %add3A_313 = vector.broadcast %add3A_312 : i32 to vector<16xi32>
      %add3A_314 = arith.addi %get3A_246, %add3A_313 : vector<16xi32>
      %swap3A_315 = arith.constant 1696 : index
      %swap3A_316 = tpu.vector_load %arg6[%swap3A_315] {strides = array<i32>} : memref<3072xi32, #tpu.memory_space<vmem>>, vector<16xi32>,
      tpu.vector_store %arg6[%swap3A_315], %add3A_314 {strides = array<i32>} : memref<3072xi32, #tpu.memory_space<vmem>>, vector<16xi32>,
      %add3A_317 = arith.constant 229376 : i32
      %add3A_318 = vector.broadcast %add3A_317 : i32 to vector<16xi32>
      %add3A_319 = arith.addi %get3A_246, %add3A_318 : vector<16xi32>
      %swap3A_320 = arith.constant 1824 : index
      %swap3A_321 = tpu.vector_load %arg6[%swap3A_320] {strides = array<i32>} : memref<3072xi32, #tpu.memory_space<vmem>>, vector<16xi32>,
      tpu.vector_store %arg6[%swap3A_320], %add3A_319 {strides = array<i32>} : memref<3072xi32, #tpu.memory_space<vmem>>, vector<16xi32>,
      %add3A_322 = arith.constant 245760 : i32
      %add3A_323 = vector.broadcast %add3A_322 : i32 to vector<16xi32>
      %add3A_324 = arith.addi %get3A_246, %add3A_323 : vector<16xi32>
      %swap3A_325 = arith.constant 1952 : index
      %swap3A_326 = tpu.vector_load %arg6[%swap3A_325] {strides = array<i32>} : memref<3072xi32, #tpu.memory_space<vmem>>, vector<16xi32>,
      tpu.vector_store %arg6[%swap3A_325], %add3A_324 {strides = array<i32>} : memref<3072xi32, #tpu.memory_space<vmem>>, vector<16xi32>,
      %add3A_327 = arith.constant 262144 : i32
      %add3A_328 = vector.broadcast %add3A_327 : i32 to vector<16xi32>
      %add3A_329 = arith.addi %get3A_246, %add3A_328 : vector<16xi32>
      %swap3A_330 = arith.constant 2080 : index
      %swap3A_331 = tpu.vector_load %arg6[%swap3A_330] {strides = array<i32>} : memref<3072xi32, #tpu.memory_space<vmem>>, vector<16xi32>,
      tpu.vector_store %arg6[%swap3A_330], %add3A_329 {strides = array<i32>} : memref<3072xi32, #tpu.memory_space<vmem>>, vector<16xi32>,
      %add3A_332 = arith.constant 278528 : i32
      %add3A_333 = vector.broadcast %add3A_332 : i32 to vector<16xi32>
      %add3A_334 = arith.addi %get3A_246, %add3A_333 : vector<16xi32>
      %swap3A_335 = arith.constant 2208 : index
      %swap3A_336 = tpu.vector_load %arg6[%swap3A_335] {strides = array<i32>} : memref<3072xi32, #tpu.memory_space<vmem>>, vector<16xi32>,
      tpu.vector_store %arg6[%swap3A_335], %add3A_334 {strides = array<i32>} : memref<3072xi32, #tpu.memory_space<vmem>>, vector<16xi32>,
      %add3A_337 = arith.constant 294912 : i32
      %add3A_338 = vector.broadcast %add3A_337 : i32 to vector<16xi32>
      %add3A_339 = arith.addi %get3A_246, %add3A_338 : vector<16xi32>
      %swap3A_340 = arith.constant 2336 : index
      %swap3A_341 = tpu.vector_load %arg6[%swap3A_340] {strides = array<i32>} : memref<3072xi32, #tpu.memory_space<vmem>>, vector<16xi32>,
      tpu.vector_store %arg6[%swap3A_340], %add3A_339 {strides = array<i32>} : memref<3072xi32, #tpu.memory_space<vmem>>, vector<16xi32>,
      %add3A_342 = arith.constant 311296 : i32
      %add3A_343 = vector.broadcast %add3A_342 : i32 to vector<16xi32>
      %add3A_344 = arith.addi %get3A_246, %add3A_343 : vector<16xi32>
      %swap3A_345 = arith.constant 2464 : index
      %swap3A_346 = tpu.vector_load %arg6[%swap3A_345] {strides = array<i32>} : memref<3072xi32, #tpu.memory_space<vmem>>, vector<16xi32>,
      tpu.vector_store %arg6[%swap3A_345], %add3A_344 {strides = array<i32>} : memref<3072xi32, #tpu.memory_space<vmem>>, vector<16xi32>,
      %add3A_347 = arith.constant 327680 : i32
      %add3A_348 = vector.broadcast %add3A_347 : i32 to vector<16xi32>
      %add3A_349 = arith.addi %get3A_246, %add3A_348 : vector<16xi32>
      %swap3A_350 = arith.constant 2592 : index
      %swap3A_351 = tpu.vector_load %arg6[%swap3A_350] {strides = array<i32>} : memref<3072xi32, #tpu.memory_space<vmem>>, vector<16xi32>,
      tpu.vector_store %arg6[%swap3A_350], %add3A_349 {strides = array<i32>} : memref<3072xi32, #tpu.memory_space<vmem>>, vector<16xi32>,
      %add3A_352 = arith.constant 344064 : i32
      %add3A_353 = vector.broadcast %add3A_352 : i32 to vector<16xi32>
      %add3A_354 = arith.addi %get3A_246, %add3A_353 : vector<16xi32>
      %swap3A_355 = arith.constant 2720 : index
      %swap3A_356 = tpu.vector_load %arg6[%swap3A_355] {strides = array<i32>} : memref<3072xi32, #tpu.memory_space<vmem>>, vector<16xi32>,
      tpu.vector_store %arg6[%swap3A_355], %add3A_354 {strides = array<i32>} : memref<3072xi32, #tpu.memory_space<vmem>>, vector<16xi32>,
      %add3A_357 = arith.constant 360448 : i32
      %add3A_358 = vector.broadcast %add3A_357 : i32 to vector<16xi32>
      %add3A_359 = arith.addi %get3A_246, %add3A_358 : vector<16xi32>
      %swap3A_360 = arith.constant 2848 : index
      %swap3A_361 = tpu.vector_load %arg6[%swap3A_360] {strides = array<i32>} : memref<3072xi32, #tpu.memory_space<vmem>>, vector<16xi32>,
      tpu.vector_store %arg6[%swap3A_360], %add3A_359 {strides = array<i32>} : memref<3072xi32, #tpu.memory_space<vmem>>, vector<16xi32>,
      %add3A_362 = arith.constant 376832 : i32
      %add3A_363 = vector.broadcast %add3A_362 : i32 to vector<16xi32>
      %add3A_364 = arith.addi %get3A_246, %add3A_363 : vector<16xi32>
      %swap3A_365 = arith.constant 2976 : index
      %swap3A_366 = tpu.vector_load %arg6[%swap3A_365] {strides = array<i32>} : memref<3072xi32, #tpu.memory_space<vmem>>, vector<16xi32>,
      tpu.vector_store %arg6[%swap3A_365], %add3A_364 {strides = array<i32>} : memref<3072xi32, #tpu.memory_space<vmem>>, vector<16xi32>,
      %get3A_367 = arith.constant 48 : index
      %get3A_368 = tpu.vector_load %arg5[%get3A_367] {strides = array<i32>} : memref<128xi32, #tpu.memory_space<vmem>>, vector<16xi32>,
      %add3A_369 = arith.constant 0 : i32
      %add3A_370 = vector.broadcast %add3A_369 : i32 to vector<16xi32>
      %add3A_371 = arith.addi %get3A_368, %add3A_370 : vector<16xi32>
      %swap3A_372 = arith.constant 48 : index
      %swap3A_373 = tpu.vector_load %arg6[%swap3A_372] {strides = array<i32>} : memref<3072xi32, #tpu.memory_space<vmem>>, vector<16xi32>,
      tpu.vector_store %arg6[%swap3A_372], %add3A_371 {strides = array<i32>} : memref<3072xi32, #tpu.memory_space<vmem>>, vector<16xi32>,
      %add3A_374 = arith.constant 16384 : i32
      %add3A_375 = vector.broadcast %add3A_374 : i32 to vector<16xi32>
      %add3A_376 = arith.addi %get3A_368, %add3A_375 : vector<16xi32>
      %swap3A_377 = arith.constant 176 : index
      %swap3A_378 = tpu.vector_load %arg6[%swap3A_377] {strides = array<i32>} : memref<3072xi32, #tpu.memory_space<vmem>>, vector<16xi32>,
      tpu.vector_store %arg6[%swap3A_377], %add3A_376 {strides = array<i32>} : memref<3072xi32, #tpu.memory_space<vmem>>, vector<16xi32>,
      %add3A_379 = arith.constant 32768 : i32
      %add3A_380 = vector.broadcast %add3A_379 : i32 to vector<16xi32>
      %add3A_381 = arith.addi %get3A_368, %add3A_380 : vector<16xi32>
      %swap3A_382 = arith.constant 304 : index
      %swap3A_383 = tpu.vector_load %arg6[%swap3A_382] {strides = array<i32>} : memref<3072xi32, #tpu.memory_space<vmem>>, vector<16xi32>,
      tpu.vector_store %arg6[%swap3A_382], %add3A_381 {strides = array<i32>} : memref<3072xi32, #tpu.memory_space<vmem>>, vector<16xi32>,
      %add3A_384 = arith.constant 49152 : i32
      %add3A_385 = vector.broadcast %add3A_384 : i32 to vector<16xi32>
      %add3A_386 = arith.addi %get3A_368, %add3A_385 : vector<16xi32>
      %swap3A_387 = arith.constant 432 : index
      %swap3A_388 = tpu.vector_load %arg6[%swap3A_387] {strides = array<i32>} : memref<3072xi32, #tpu.memory_space<vmem>>, vector<16xi32>,
      tpu.vector_store %arg6[%swap3A_387], %add3A_386 {strides = array<i32>} : memref<3072xi32, #tpu.memory_space<vmem>>, vector<16xi32>,
      %add3A_389 = arith.constant 65536 : i32
      %add3A_390 = vector.broadcast %add3A_389 : i32 to vector<16xi32>
      %add3A_391 = arith.addi %get3A_368, %add3A_390 : vector<16xi32>
      %swap3A_392 = arith.constant 560 : index
      %swap3A_393 = tpu.vector_load %arg6[%swap3A_392] {strides = array<i32>} : memref<3072xi32, #tpu.memory_space<vmem>>, vector<16xi32>,
      tpu.vector_store %arg6[%swap3A_392], %add3A_391 {strides = array<i32>} : memref<3072xi32, #tpu.memory_space<vmem>>, vector<16xi32>,
      %add3A_394 = arith.constant 81920 : i32
      %add3A_395 = vector.broadcast %add3A_394 : i32 to vector<16xi32>
      %add3A_396 = arith.addi %get3A_368, %add3A_395 : vector<16xi32>
      %swap3A_397 = arith.constant 688 : index
      %swap3A_398 = tpu.vector_load %arg6[%swap3A_397] {strides = array<i32>} : memref<3072xi32, #tpu.memory_space<vmem>>, vector<16xi32>,
      tpu.vector_store %arg6[%swap3A_397], %add3A_396 {strides = array<i32>} : memref<3072xi32, #tpu.memory_space<vmem>>, vector<16xi32>,
      %add3A_399 = arith.constant 98304 : i32
      %add3A_400 = vector.broadcast %add3A_399 : i32 to vector<16xi32>
      %add3A_401 = arith.addi %get3A_368, %add3A_400 : vector<16xi32>
      %swap3A_402 = arith.constant 816 : index
      %swap3A_403 = tpu.vector_load %arg6[%swap3A_402] {strides = array<i32>} : memref<3072xi32, #tpu.memory_space<vmem>>, vector<16xi32>,
      tpu.vector_store %arg6[%swap3A_402], %add3A_401 {strides = array<i32>} : memref<3072xi32, #tpu.memory_space<vmem>>, vector<16xi32>,
      %add3A_404 = arith.constant 114688 : i32
      %add3A_405 = vector.broadcast %add3A_404 : i32 to vector<16xi32>
      %add3A_406 = arith.addi %get3A_368, %add3A_405 : vector<16xi32>
      %swap3A_407 = arith.constant 944 : index
      %swap3A_408 = tpu.vector_load %arg6[%swap3A_407] {strides = array<i32>} : memref<3072xi32, #tpu.memory_space<vmem>>, vector<16xi32>,
      tpu.vector_store %arg6[%swap3A_407], %add3A_406 {strides = array<i32>} : memref<3072xi32, #tpu.memory_space<vmem>>, vector<16xi32>,
      %add3A_409 = arith.constant 131072 : i32
      %add3A_410 = vector.broadcast %add3A_409 : i32 to vector<16xi32>
      %add3A_411 = arith.addi %get3A_368, %add3A_410 : vector<16xi32>
      %swap3A_412 = arith.constant 1072 : index
      %swap3A_413 = tpu.vector_load %arg6[%swap3A_412] {strides = array<i32>} : memref<3072xi32, #tpu.memory_space<vmem>>, vector<16xi32>,
      tpu.vector_store %arg6[%swap3A_412], %add3A_411 {strides = array<i32>} : memref<3072xi32, #tpu.memory_space<vmem>>, vector<16xi32>,
      %add3A_414 = arith.constant 147456 : i32
      %add3A_415 = vector.broadcast %add3A_414 : i32 to vector<16xi32>
      %add3A_416 = arith.addi %get3A_368, %add3A_415 : vector<16xi32>
      %swap3A_417 = arith.constant 1200 : index
      %swap3A_418 = tpu.vector_load %arg6[%swap3A_417] {strides = array<i32>} : memref<3072xi32, #tpu.memory_space<vmem>>, vector<16xi32>,
      tpu.vector_store %arg6[%swap3A_417], %add3A_416 {strides = array<i32>} : memref<3072xi32, #tpu.memory_space<vmem>>, vector<16xi32>,
      %add3A_419 = arith.constant 163840 : i32
      %add3A_420 = vector.broadcast %add3A_419 : i32 to vector<16xi32>
      %add3A_421 = arith.addi %get3A_368, %add3A_420 : vector<16xi32>
      %swap3A_422 = arith.constant 1328 : index
      %swap3A_423 = tpu.vector_load %arg6[%swap3A_422] {strides = array<i32>} : memref<3072xi32, #tpu.memory_space<vmem>>, vector<16xi32>,
      tpu.vector_store %arg6[%swap3A_422], %add3A_421 {strides = array<i32>} : memref<3072xi32, #tpu.memory_space<vmem>>, vector<16xi32>,
      %add3A_424 = arith.constant 180224 : i32
      %add3A_425 = vector.broadcast %add3A_424 : i32 to vector<16xi32>
      %add3A_426 = arith.addi %get3A_368, %add3A_425 : vector<16xi32>
      %swap3A_427 = arith.constant 1456 : index
      %swap3A_428 = tpu.vector_load %arg6[%swap3A_427] {strides = array<i32>} : memref<3072xi32, #tpu.memory_space<vmem>>, vector<16xi32>,
      tpu.vector_store %arg6[%swap3A_427], %add3A_426 {strides = array<i32>} : memref<3072xi32, #tpu.memory_space<vmem>>, vector<16xi32>,
      %add3A_429 = arith.constant 196608 : i32
      %add3A_430 = vector.broadcast %add3A_429 : i32 to vector<16xi32>
      %add3A_431 = arith.addi %get3A_368, %add3A_430 : vector<16xi32>
      %swap3A_432 = arith.constant 1584 : index
      %swap3A_433 = tpu.vector_load %arg6[%swap3A_432] {strides = array<i32>} : memref<3072xi32, #tpu.memory_space<vmem>>, vector<16xi32>,
      tpu.vector_store %arg6[%swap3A_432], %add3A_431 {strides = array<i32>} : memref<3072xi32, #tpu.memory_space<vmem>>, vector<16xi32>,
      %add3A_434 = arith.constant 212992 : i32
      %add3A_435 = vector.broadcast %add3A_434 : i32 to vector<16xi32>
      %add3A_436 = arith.addi %get3A_368, %add3A_435 : vector<16xi32>
      %swap3A_437 = arith.constant 1712 : index
      %swap3A_438 = tpu.vector_load %arg6[%swap3A_437] {strides = array<i32>} : memref<3072xi32, #tpu.memory_space<vmem>>, vector<16xi32>,
      tpu.vector_store %arg6[%swap3A_437], %add3A_436 {strides = array<i32>} : memref<3072xi32, #tpu.memory_space<vmem>>, vector<16xi32>,
      %add3A_439 = arith.constant 229376 : i32
      %add3A_440 = vector.broadcast %add3A_439 : i32 to vector<16xi32>
      %add3A_441 = arith.addi %get3A_368, %add3A_440 : vector<16xi32>
      %swap3A_442 = arith.constant 1840 : index
      %swap3A_443 = tpu.vector_load %arg6[%swap3A_442] {strides = array<i32>} : memref<3072xi32, #tpu.memory_space<vmem>>, vector<16xi32>,
      tpu.vector_store %arg6[%swap3A_442], %add3A_441 {strides = array<i32>} : memref<3072xi32, #tpu.memory_space<vmem>>, vector<16xi32>,
      %add3A_444 = arith.constant 245760 : i32
      %add3A_445 = vector.broadcast %add3A_444 : i32 to vector<16xi32>
      %add3A_446 = arith.addi %get3A_368, %add3A_445 : vector<16xi32>
      %swap3A_447 = arith.constant 1968 : index
      %swap3A_448 = tpu.vector_load %arg6[%swap3A_447] {strides = array<i32>} : memref<3072xi32, #tpu.memory_space<vmem>>, vector<16xi32>,
      tpu.vector_store %arg6[%swap3A_447], %add3A_446 {strides = array<i32>} : memref<3072xi32, #tpu.memory_space<vmem>>, vector<16xi32>,
      %add3A_449 = arith.constant 262144 : i32
      %add3A_450 = vector.broadcast %add3A_449 : i32 to vector<16xi32>
      %add3A_451 = arith.addi %get3A_368, %add3A_450 : vector<16xi32>
      %swap3A_452 = arith.constant 2096 : index
      %swap3A_453 = tpu.vector_load %arg6[%swap3A_452] {strides = array<i32>} : memref<3072xi32, #tpu.memory_space<vmem>>, vector<16xi32>,
      tpu.vector_store %arg6[%swap3A_452], %add3A_451 {strides = array<i32>} : memref<3072xi32, #tpu.memory_space<vmem>>, vector<16xi32>,
      %add3A_454 = arith.constant 278528 : i32
      %add3A_455 = vector.broadcast %add3A_454 : i32 to vector<16xi32>
      %add3A_456 = arith.addi %get3A_368, %add3A_455 : vector<16xi32>
      %swap3A_457 = arith.constant 2224 : index
      %swap3A_458 = tpu.vector_load %arg6[%swap3A_457] {strides = array<i32>} : memref<3072xi32, #tpu.memory_space<vmem>>, vector<16xi32>,
      tpu.vector_store %arg6[%swap3A_457], %add3A_456 {strides = array<i32>} : memref<3072xi32, #tpu.memory_space<vmem>>, vector<16xi32>,
      %add3A_459 = arith.constant 294912 : i32
      %add3A_460 = vector.broadcast %add3A_459 : i32 to vector<16xi32>
      %add3A_461 = arith.addi %get3A_368, %add3A_460 : vector<16xi32>
      %swap3A_462 = arith.constant 2352 : index
      %swap3A_463 = tpu.vector_load %arg6[%swap3A_462] {strides = array<i32>} : memref<3072xi32, #tpu.memory_space<vmem>>, vector<16xi32>,
      tpu.vector_store %arg6[%swap3A_462], %add3A_461 {strides = array<i32>} : memref<3072xi32, #tpu.memory_space<vmem>>, vector<16xi32>,
      %add3A_464 = arith.constant 311296 : i32
      %add3A_465 = vector.broadcast %add3A_464 : i32 to vector<16xi32>
      %add3A_466 = arith.addi %get3A_368, %add3A_465 : vector<16xi32>
      %swap3A_467 = arith.constant 2480 : index
      %swap3A_468 = tpu.vector_load %arg6[%swap3A_467] {strides = array<i32>} : memref<3072xi32, #tpu.memory_space<vmem>>, vector<16xi32>,
      tpu.vector_store %arg6[%swap3A_467], %add3A_466 {strides = array<i32>} : memref<3072xi32, #tpu.memory_space<vmem>>, vector<16xi32>,
      %add3A_469 = arith.constant 327680 : i32
      %add3A_470 = vector.broadcast %add3A_469 : i32 to vector<16xi32>
      %add3A_471 = arith.addi %get3A_368, %add3A_470 : vector<16xi32>
      %swap3A_472 = arith.constant 2608 : index
      %swap3A_473 = tpu.vector_load %arg6[%swap3A_472] {strides = array<i32>} : memref<3072xi32, #tpu.memory_space<vmem>>, vector<16xi32>,
      tpu.vector_store %arg6[%swap3A_472], %add3A_471 {strides = array<i32>} : memref<3072xi32, #tpu.memory_space<vmem>>, vector<16xi32>,
      %add3A_474 = arith.constant 344064 : i32
      %add3A_475 = vector.broadcast %add3A_474 : i32 to vector<16xi32>
      %add3A_476 = arith.addi %get3A_368, %add3A_475 : vector<16xi32>
      %swap3A_477 = arith.constant 2736 : index
      %swap3A_478 = tpu.vector_load %arg6[%swap3A_477] {strides = array<i32>} : memref<3072xi32, #tpu.memory_space<vmem>>, vector<16xi32>,
      tpu.vector_store %arg6[%swap3A_477], %add3A_476 {strides = array<i32>} : memref<3072xi32, #tpu.memory_space<vmem>>, vector<16xi32>,
      %add3A_479 = arith.constant 360448 : i32
      %add3A_480 = vector.broadcast %add3A_479 : i32 to vector<16xi32>
      %add3A_481 = arith.addi %get3A_368, %add3A_480 : vector<16xi32>
      %swap3A_482 = arith.constant 2864 : index
      %swap3A_483 = tpu.vector_load %arg6[%swap3A_482] {strides = array<i32>} : memref<3072xi32, #tpu.memory_space<vmem>>, vector<16xi32>,
      tpu.vector_store %arg6[%swap3A_482], %add3A_481 {strides = array<i32>} : memref<3072xi32, #tpu.memory_space<vmem>>, vector<16xi32>,
      %add3A_484 = arith.constant 376832 : i32
      %add3A_485 = vector.broadcast %add3A_484 : i32 to vector<16xi32>
      %add3A_486 = arith.addi %get3A_368, %add3A_485 : vector<16xi32>
      %swap3A_487 = arith.constant 2992 : index
      %swap3A_488 = tpu.vector_load %arg6[%swap3A_487] {strides = array<i32>} : memref<3072xi32, #tpu.memory_space<vmem>>, vector<16xi32>,
      tpu.vector_store %arg6[%swap3A_487], %add3A_486 {strides = array<i32>} : memref<3072xi32, #tpu.memory_space<vmem>>, vector<16xi32>,
      %get3A_489 = arith.constant 64 : index
      %get3A_490 = tpu.vector_load %arg5[%get3A_489] {strides = array<i32>} : memref<128xi32, #tpu.memory_space<vmem>>, vector<16xi32>,
      %add3A_491 = arith.constant 0 : i32
      %add3A_492 = vector.broadcast %add3A_491 : i32 to vector<16xi32>
      %add3A_493 = arith.addi %get3A_490, %add3A_492 : vector<16xi32>
      %swap3A_494 = arith.constant 64 : index
      %swap3A_495 = tpu.vector_load %arg6[%swap3A_494] {strides = array<i32>} : memref<3072xi32, #tpu.memory_space<vmem>>, vector<16xi32>,
      tpu.vector_store %arg6[%swap3A_494], %add3A_493 {strides = array<i32>} : memref<3072xi32, #tpu.memory_space<vmem>>, vector<16xi32>,
      %add3A_496 = arith.constant 16384 : i32
      %add3A_497 = vector.broadcast %add3A_496 : i32 to vector<16xi32>
      %add3A_498 = arith.addi %get3A_490, %add3A_497 : vector<16xi32>
      %swap3A_499 = arith.constant 192 : index
      %swap3A_500 = tpu.vector_load %arg6[%swap3A_499] {strides = array<i32>} : memref<3072xi32, #tpu.memory_space<vmem>>, vector<16xi32>,
      tpu.vector_store %arg6[%swap3A_499], %add3A_498 {strides = array<i32>} : memref<3072xi32, #tpu.memory_space<vmem>>, vector<16xi32>,
      %add3A_501 = arith.constant 32768 : i32
      %add3A_502 = vector.broadcast %add3A_501 : i32 to vector<16xi32>
      %add3A_503 = arith.addi %get3A_490, %add3A_502 : vector<16xi32>
      %swap3A_504 = arith.constant 320 : index
      %swap3A_505 = tpu.vector_load %arg6[%swap3A_504] {strides = array<i32>} : memref<3072xi32, #tpu.memory_space<vmem>>, vector<16xi32>,
      tpu.vector_store %arg6[%swap3A_504], %add3A_503 {strides = array<i32>} : memref<3072xi32, #tpu.memory_space<vmem>>, vector<16xi32>,
      %add3A_506 = arith.constant 49152 : i32
      %add3A_507 = vector.broadcast %add3A_506 : i32 to vector<16xi32>
      %add3A_508 = arith.addi %get3A_490, %add3A_507 : vector<16xi32>
      %swap3A_509 = arith.constant 448 : index
      %swap3A_510 = tpu.vector_load %arg6[%swap3A_509] {strides = array<i32>} : memref<3072xi32, #tpu.memory_space<vmem>>, vector<16xi32>,
      tpu.vector_store %arg6[%swap3A_509], %add3A_508 {strides = array<i32>} : memref<3072xi32, #tpu.memory_space<vmem>>, vector<16xi32>,
      %add3A_511 = arith.constant 65536 : i32
      %add3A_512 = vector.broadcast %add3A_511 : i32 to vector<16xi32>
      %add3A_513 = arith.addi %get3A_490, %add3A_512 : vector<16xi32>
      %swap3A_514 = arith.constant 576 : index
      %swap3A_515 = tpu.vector_load %arg6[%swap3A_514] {strides = array<i32>} : memref<3072xi32, #tpu.memory_space<vmem>>, vector<16xi32>,
      tpu.vector_store %arg6[%swap3A_514], %add3A_513 {strides = array<i32>} : memref<3072xi32, #tpu.memory_space<vmem>>, vector<16xi32>,
      %add3A_516 = arith.constant 81920 : i32
      %add3A_517 = vector.broadcast %add3A_516 : i32 to vector<16xi32>
      %add3A_518 = arith.addi %get3A_490, %add3A_517 : vector<16xi32>
      %swap3A_519 = arith.constant 704 : index
      %swap3A_520 = tpu.vector_load %arg6[%swap3A_519] {strides = array<i32>} : memref<3072xi32, #tpu.memory_space<vmem>>, vector<16xi32>,
      tpu.vector_store %arg6[%swap3A_519], %add3A_518 {strides = array<i32>} : memref<3072xi32, #tpu.memory_space<vmem>>, vector<16xi32>,
      %add3A_521 = arith.constant 98304 : i32
      %add3A_522 = vector.broadcast %add3A_521 : i32 to vector<16xi32>
      %add3A_523 = arith.addi %get3A_490, %add3A_522 : vector<16xi32>
      %swap3A_524 = arith.constant 832 : index
      %swap3A_525 = tpu.vector_load %arg6[%swap3A_524] {strides = array<i32>} : memref<3072xi32, #tpu.memory_space<vmem>>, vector<16xi32>,
      tpu.vector_store %arg6[%swap3A_524], %add3A_523 {strides = array<i32>} : memref<3072xi32, #tpu.memory_space<vmem>>, vector<16xi32>,
      %add3A_526 = arith.constant 114688 : i32
      %add3A_527 = vector.broadcast %add3A_526 : i32 to vector<16xi32>
      %add3A_528 = arith.addi %get3A_490, %add3A_527 : vector<16xi32>
      %swap3A_529 = arith.constant 960 : index
      %swap3A_530 = tpu.vector_load %arg6[%swap3A_529] {strides = array<i32>} : memref<3072xi32, #tpu.memory_space<vmem>>, vector<16xi32>,
      tpu.vector_store %arg6[%swap3A_529], %add3A_528 {strides = array<i32>} : memref<3072xi32, #tpu.memory_space<vmem>>, vector<16xi32>,
      %add3A_531 = arith.constant 131072 : i32
      %add3A_532 = vector.broadcast %add3A_531 : i32 to vector<16xi32>
      %add3A_533 = arith.addi %get3A_490, %add3A_532 : vector<16xi32>
      %swap3A_534 = arith.constant 1088 : index
      %swap3A_535 = tpu.vector_load %arg6[%swap3A_534] {strides = array<i32>} : memref<3072xi32, #tpu.memory_space<vmem>>, vector<16xi32>,
      tpu.vector_store %arg6[%swap3A_534], %add3A_533 {strides = array<i32>} : memref<3072xi32, #tpu.memory_space<vmem>>, vector<16xi32>,
      %add3A_536 = arith.constant 147456 : i32
      %add3A_537 = vector.broadcast %add3A_536 : i32 to vector<16xi32>
      %add3A_538 = arith.addi %get3A_490, %add3A_537 : vector<16xi32>
      %swap3A_539 = arith.constant 1216 : index
      %swap3A_540 = tpu.vector_load %arg6[%swap3A_539] {strides = array<i32>} : memref<3072xi32, #tpu.memory_space<vmem>>, vector<16xi32>,
      tpu.vector_store %arg6[%swap3A_539], %add3A_538 {strides = array<i32>} : memref<3072xi32, #tpu.memory_space<vmem>>, vector<16xi32>,
      %add3A_541 = arith.constant 163840 : i32
      %add3A_542 = vector.broadcast %add3A_541 : i32 to vector<16xi32>
      %add3A_543 = arith.addi %get3A_490, %add3A_542 : vector<16xi32>
      %swap3A_544 = arith.constant 1344 : index
      %swap3A_545 = tpu.vector_load %arg6[%swap3A_544] {strides = array<i32>} : memref<3072xi32, #tpu.memory_space<vmem>>, vector<16xi32>,
      tpu.vector_store %arg6[%swap3A_544], %add3A_543 {strides = array<i32>} : memref<3072xi32, #tpu.memory_space<vmem>>, vector<16xi32>,
      %add3A_546 = arith.constant 180224 : i32
      %add3A_547 = vector.broadcast %add3A_546 : i32 to vector<16xi32>
      %add3A_548 = arith.addi %get3A_490, %add3A_547 : vector<16xi32>
      %swap3A_549 = arith.constant 1472 : index
      %swap3A_550 = tpu.vector_load %arg6[%swap3A_549] {strides = array<i32>} : memref<3072xi32, #tpu.memory_space<vmem>>, vector<16xi32>,
      tpu.vector_store %arg6[%swap3A_549], %add3A_548 {strides = array<i32>} : memref<3072xi32, #tpu.memory_space<vmem>>, vector<16xi32>,
      %add3A_551 = arith.constant 196608 : i32
      %add3A_552 = vector.broadcast %add3A_551 : i32 to vector<16xi32>
      %add3A_553 = arith.addi %get3A_490, %add3A_552 : vector<16xi32>
      %swap3A_554 = arith.constant 1600 : index
      %swap3A_555 = tpu.vector_load %arg6[%swap3A_554] {strides = array<i32>} : memref<3072xi32, #tpu.memory_space<vmem>>, vector<16xi32>,
      tpu.vector_store %arg6[%swap3A_554], %add3A_553 {strides = array<i32>} : memref<3072xi32, #tpu.memory_space<vmem>>, vector<16xi32>,
      %add3A_556 = arith.constant 212992 : i32
      %add3A_557 = vector.broadcast %add3A_556 : i32 to vector<16xi32>
      %add3A_558 = arith.addi %get3A_490, %add3A_557 : vector<16xi32>
      %swap3A_559 = arith.constant 1728 : index
      %swap3A_560 = tpu.vector_load %arg6[%swap3A_559] {strides = array<i32>} : memref<3072xi32, #tpu.memory_space<vmem>>, vector<16xi32>,
      tpu.vector_store %arg6[%swap3A_559], %add3A_558 {strides = array<i32>} : memref<3072xi32, #tpu.memory_space<vmem>>, vector<16xi32>,
      %add3A_561 = arith.constant 229376 : i32
      %add3A_562 = vector.broadcast %add3A_561 : i32 to vector<16xi32>
      %add3A_563 = arith.addi %get3A_490, %add3A_562 : vector<16xi32>
      %swap3A_564 = arith.constant 1856 : index
      %swap3A_565 = tpu.vector_load %arg6[%swap3A_564] {strides = array<i32>} : memref<3072xi32, #tpu.memory_space<vmem>>, vector<16xi32>,
      tpu.vector_store %arg6[%swap3A_564], %add3A_563 {strides = array<i32>} : memref<3072xi32, #tpu.memory_space<vmem>>, vector<16xi32>,
      %add3A_566 = arith.constant 245760 : i32
      %add3A_567 = vector.broadcast %add3A_566 : i32 to vector<16xi32>
      %add3A_568 = arith.addi %get3A_490, %add3A_567 : vector<16xi32>
      %swap3A_569 = arith.constant 1984 : index
      %swap3A_570 = tpu.vector_load %arg6[%swap3A_569] {strides = array<i32>} : memref<3072xi32, #tpu.memory_space<vmem>>, vector<16xi32>,
      tpu.vector_store %arg6[%swap3A_569], %add3A_568 {strides = array<i32>} : memref<3072xi32, #tpu.memory_space<vmem>>, vector<16xi32>,
      %add3A_571 = arith.constant 262144 : i32
      %add3A_572 = vector.broadcast %add3A_571 : i32 to vector<16xi32>
      %add3A_573 = arith.addi %get3A_490, %add3A_572 : vector<16xi32>
      %swap3A_574 = arith.constant 2112 : index
      %swap3A_575 = tpu.vector_load %arg6[%swap3A_574] {strides = array<i32>} : memref<3072xi32, #tpu.memory_space<vmem>>, vector<16xi32>,
      tpu.vector_store %arg6[%swap3A_574], %add3A_573 {strides = array<i32>} : memref<3072xi32, #tpu.memory_space<vmem>>, vector<16xi32>,
      %add3A_576 = arith.constant 278528 : i32
      %add3A_577 = vector.broadcast %add3A_576 : i32 to vector<16xi32>
      %add3A_578 = arith.addi %get3A_490, %add3A_577 : vector<16xi32>
      %swap3A_579 = arith.constant 2240 : index
      %swap3A_580 = tpu.vector_load %arg6[%swap3A_579] {strides = array<i32>} : memref<3072xi32, #tpu.memory_space<vmem>>, vector<16xi32>,
      tpu.vector_store %arg6[%swap3A_579], %add3A_578 {strides = array<i32>} : memref<3072xi32, #tpu.memory_space<vmem>>, vector<16xi32>,
      %add3A_581 = arith.constant 294912 : i32
      %add3A_582 = vector.broadcast %add3A_581 : i32 to vector<16xi32>
      %add3A_583 = arith.addi %get3A_490, %add3A_582 : vector<16xi32>
      %swap3A_584 = arith.constant 2368 : index
      %swap3A_585 = tpu.vector_load %arg6[%swap3A_584] {strides = array<i32>} : memref<3072xi32, #tpu.memory_space<vmem>>, vector<16xi32>,
      tpu.vector_store %arg6[%swap3A_584], %add3A_583 {strides = array<i32>} : memref<3072xi32, #tpu.memory_space<vmem>>, vector<16xi32>,
      %add3A_586 = arith.constant 311296 : i32
      %add3A_587 = vector.broadcast %add3A_586 : i32 to vector<16xi32>
      %add3A_588 = arith.addi %get3A_490, %add3A_587 : vector<16xi32>
      %swap3A_589 = arith.constant 2496 : index
      %swap3A_590 = tpu.vector_load %arg6[%swap3A_589] {strides = array<i32>} : memref<3072xi32, #tpu.memory_space<vmem>>, vector<16xi32>,
      tpu.vector_store %arg6[%swap3A_589], %add3A_588 {strides = array<i32>} : memref<3072xi32, #tpu.memory_space<vmem>>, vector<16xi32>,
      %add3A_591 = arith.constant 327680 : i32
      %add3A_592 = vector.broadcast %add3A_591 : i32 to vector<16xi32>
      %add3A_593 = arith.addi %get3A_490, %add3A_592 : vector<16xi32>
      %swap3A_594 = arith.constant 2624 : index
      %swap3A_595 = tpu.vector_load %arg6[%swap3A_594] {strides = array<i32>} : memref<3072xi32, #tpu.memory_space<vmem>>, vector<16xi32>,
      tpu.vector_store %arg6[%swap3A_594], %add3A_593 {strides = array<i32>} : memref<3072xi32, #tpu.memory_space<vmem>>, vector<16xi32>,
      %add3A_596 = arith.constant 344064 : i32
      %add3A_597 = vector.broadcast %add3A_596 : i32 to vector<16xi32>
      %add3A_598 = arith.addi %get3A_490, %add3A_597 : vector<16xi32>
      %swap3A_599 = arith.constant 2752 : index
      %swap3A_600 = tpu.vector_load %arg6[%swap3A_599] {strides = array<i32>} : memref<3072xi32, #tpu.memory_space<vmem>>, vector<16xi32>,
      tpu.vector_store %arg6[%swap3A_599], %add3A_598 {strides = array<i32>} : memref<3072xi32, #tpu.memory_space<vmem>>, vector<16xi32>,
      %add3A_601 = arith.constant 360448 : i32
      %add3A_602 = vector.broadcast %add3A_601 : i32 to vector<16xi32>
      %add3A_603 = arith.addi %get3A_490, %add3A_602 : vector<16xi32>
      %swap3A_604 = arith.constant 2880 : index
      %swap3A_605 = tpu.vector_load %arg6[%swap3A_604] {strides = array<i32>} : memref<3072xi32, #tpu.memory_space<vmem>>, vector<16xi32>,
      tpu.vector_store %arg6[%swap3A_604], %add3A_603 {strides = array<i32>} : memref<3072xi32, #tpu.memory_space<vmem>>, vector<16xi32>,
      %add3A_606 = arith.constant 376832 : i32
      %add3A_607 = vector.broadcast %add3A_606 : i32 to vector<16xi32>
      %add3A_608 = arith.addi %get3A_490, %add3A_607 : vector<16xi32>
      %swap3A_609 = arith.constant 3008 : index
      %swap3A_610 = tpu.vector_load %arg6[%swap3A_609] {strides = array<i32>} : memref<3072xi32, #tpu.memory_space<vmem>>, vector<16xi32>,
      tpu.vector_store %arg6[%swap3A_609], %add3A_608 {strides = array<i32>} : memref<3072xi32, #tpu.memory_space<vmem>>, vector<16xi32>,
      %get3A_611 = arith.constant 80 : index
      %get3A_612 = tpu.vector_load %arg5[%get3A_611] {strides = array<i32>} : memref<128xi32, #tpu.memory_space<vmem>>, vector<16xi32>,
      %add3A_613 = arith.constant 0 : i32
      %add3A_614 = vector.broadcast %add3A_613 : i32 to vector<16xi32>
      %add3A_615 = arith.addi %get3A_612, %add3A_614 : vector<16xi32>
      %swap3A_616 = arith.constant 80 : index
      %swap3A_617 = tpu.vector_load %arg6[%swap3A_616] {strides = array<i32>} : memref<3072xi32, #tpu.memory_space<vmem>>, vector<16xi32>,
      tpu.vector_store %arg6[%swap3A_616], %add3A_615 {strides = array<i32>} : memref<3072xi32, #tpu.memory_space<vmem>>, vector<16xi32>,
      %add3A_618 = arith.constant 16384 : i32
      %add3A_619 = vector.broadcast %add3A_618 : i32 to vector<16xi32>
      %add3A_620 = arith.addi %get3A_612, %add3A_619 : vector<16xi32>
      %swap3A_621 = arith.constant 208 : index
      %swap3A_622 = tpu.vector_load %arg6[%swap3A_621] {strides = array<i32>} : memref<3072xi32, #tpu.memory_space<vmem>>, vector<16xi32>,
      tpu.vector_store %arg6[%swap3A_621], %add3A_620 {strides = array<i32>} : memref<3072xi32, #tpu.memory_space<vmem>>, vector<16xi32>,
      %add3A_623 = arith.constant 32768 : i32
      %add3A_624 = vector.broadcast %add3A_623 : i32 to vector<16xi32>
      %add3A_625 = arith.addi %get3A_612, %add3A_624 : vector<16xi32>
      %swap3A_626 = arith.constant 336 : index
      %swap3A_627 = tpu.vector_load %arg6[%swap3A_626] {strides = array<i32>} : memref<3072xi32, #tpu.memory_space<vmem>>, vector<16xi32>,
      tpu.vector_store %arg6[%swap3A_626], %add3A_625 {strides = array<i32>} : memref<3072xi32, #tpu.memory_space<vmem>>, vector<16xi32>,
      %add3A_628 = arith.constant 49152 : i32
      %add3A_629 = vector.broadcast %add3A_628 : i32 to vector<16xi32>
      %add3A_630 = arith.addi %get3A_612, %add3A_629 : vector<16xi32>
      %swap3A_631 = arith.constant 464 : index
      %swap3A_632 = tpu.vector_load %arg6[%swap3A_631] {strides = array<i32>} : memref<3072xi32, #tpu.memory_space<vmem>>, vector<16xi32>,
      tpu.vector_store %arg6[%swap3A_631], %add3A_630 {strides = array<i32>} : memref<3072xi32, #tpu.memory_space<vmem>>, vector<16xi32>,
      %add3A_633 = arith.constant 65536 : i32
      %add3A_634 = vector.broadcast %add3A_633 : i32 to vector<16xi32>
      %add3A_635 = arith.addi %get3A_612, %add3A_634 : vector<16xi32>
      %swap3A_636 = arith.constant 592 : index
      %swap3A_637 = tpu.vector_load %arg6[%swap3A_636] {strides = array<i32>} : memref<3072xi32, #tpu.memory_space<vmem>>, vector<16xi32>,
      tpu.vector_store %arg6[%swap3A_636], %add3A_635 {strides = array<i32>} : memref<3072xi32, #tpu.memory_space<vmem>>, vector<16xi32>,
      %add3A_638 = arith.constant 81920 : i32
      %add3A_639 = vector.broadcast %add3A_638 : i32 to vector<16xi32>
      %add3A_640 = arith.addi %get3A_612, %add3A_639 : vector<16xi32>
      %swap3A_641 = arith.constant 720 : index
      %swap3A_642 = tpu.vector_load %arg6[%swap3A_641] {strides = array<i32>} : memref<3072xi32, #tpu.memory_space<vmem>>, vector<16xi32>,
      tpu.vector_store %arg6[%swap3A_641], %add3A_640 {strides = array<i32>} : memref<3072xi32, #tpu.memory_space<vmem>>, vector<16xi32>,
      %add3A_643 = arith.constant 98304 : i32
      %add3A_644 = vector.broadcast %add3A_643 : i32 to vector<16xi32>
      %add3A_645 = arith.addi %get3A_612, %add3A_644 : vector<16xi32>
      %swap3A_646 = arith.constant 848 : index
      %swap3A_647 = tpu.vector_load %arg6[%swap3A_646] {strides = array<i32>} : memref<3072xi32, #tpu.memory_space<vmem>>, vector<16xi32>,
      tpu.vector_store %arg6[%swap3A_646], %add3A_645 {strides = array<i32>} : memref<3072xi32, #tpu.memory_space<vmem>>, vector<16xi32>,
      %add3A_648 = arith.constant 114688 : i32
      %add3A_649 = vector.broadcast %add3A_648 : i32 to vector<16xi32>
      %add3A_650 = arith.addi %get3A_612, %add3A_649 : vector<16xi32>
      %swap3A_651 = arith.constant 976 : index
      %swap3A_652 = tpu.vector_load %arg6[%swap3A_651] {strides = array<i32>} : memref<3072xi32, #tpu.memory_space<vmem>>, vector<16xi32>,
      tpu.vector_store %arg6[%swap3A_651], %add3A_650 {strides = array<i32>} : memref<3072xi32, #tpu.memory_space<vmem>>, vector<16xi32>,
      %add3A_653 = arith.constant 131072 : i32
      %add3A_654 = vector.broadcast %add3A_653 : i32 to vector<16xi32>
      %add3A_655 = arith.addi %get3A_612, %add3A_654 : vector<16xi32>
      %swap3A_656 = arith.constant 1104 : index
      %swap3A_657 = tpu.vector_load %arg6[%swap3A_656] {strides = array<i32>} : memref<3072xi32, #tpu.memory_space<vmem>>, vector<16xi32>,
      tpu.vector_store %arg6[%swap3A_656], %add3A_655 {strides = array<i32>} : memref<3072xi32, #tpu.memory_space<vmem>>, vector<16xi32>,
      %add3A_658 = arith.constant 147456 : i32
      %add3A_659 = vector.broadcast %add3A_658 : i32 to vector<16xi32>
      %add3A_660 = arith.addi %get3A_612, %add3A_659 : vector<16xi32>
      %swap3A_661 = arith.constant 1232 : index
      %swap3A_662 = tpu.vector_load %arg6[%swap3A_661] {strides = array<i32>} : memref<3072xi32, #tpu.memory_space<vmem>>, vector<16xi32>,
      tpu.vector_store %arg6[%swap3A_661], %add3A_660 {strides = array<i32>} : memref<3072xi32, #tpu.memory_space<vmem>>, vector<16xi32>,
      %add3A_663 = arith.constant 163840 : i32
      %add3A_664 = vector.broadcast %add3A_663 : i32 to vector<16xi32>
      %add3A_665 = arith.addi %get3A_612, %add3A_664 : vector<16xi32>
      %swap3A_666 = arith.constant 1360 : index
      %swap3A_667 = tpu.vector_load %arg6[%swap3A_666] {strides = array<i32>} : memref<3072xi32, #tpu.memory_space<vmem>>, vector<16xi32>,
      tpu.vector_store %arg6[%swap3A_666], %add3A_665 {strides = array<i32>} : memref<3072xi32, #tpu.memory_space<vmem>>, vector<16xi32>,
      %add3A_668 = arith.constant 180224 : i32
      %add3A_669 = vector.broadcast %add3A_668 : i32 to vector<16xi32>
      %add3A_670 = arith.addi %get3A_612, %add3A_669 : vector<16xi32>
      %swap3A_671 = arith.constant 1488 : index
      %swap3A_672 = tpu.vector_load %arg6[%swap3A_671] {strides = array<i32>} : memref<3072xi32, #tpu.memory_space<vmem>>, vector<16xi32>,
      tpu.vector_store %arg6[%swap3A_671], %add3A_670 {strides = array<i32>} : memref<3072xi32, #tpu.memory_space<vmem>>, vector<16xi32>,
      %add3A_673 = arith.constant 196608 : i32
      %add3A_674 = vector.broadcast %add3A_673 : i32 to vector<16xi32>
      %add3A_675 = arith.addi %get3A_612, %add3A_674 : vector<16xi32>
      %swap3A_676 = arith.constant 1616 : index
      %swap3A_677 = tpu.vector_load %arg6[%swap3A_676] {strides = array<i32>} : memref<3072xi32, #tpu.memory_space<vmem>>, vector<16xi32>,
      tpu.vector_store %arg6[%swap3A_676], %add3A_675 {strides = array<i32>} : memref<3072xi32, #tpu.memory_space<vmem>>, vector<16xi32>,
      %add3A_678 = arith.constant 212992 : i32
      %add3A_679 = vector.broadcast %add3A_678 : i32 to vector<16xi32>
      %add3A_680 = arith.addi %get3A_612, %add3A_679 : vector<16xi32>
      %swap3A_681 = arith.constant 1744 : index
      %swap3A_682 = tpu.vector_load %arg6[%swap3A_681] {strides = array<i32>} : memref<3072xi32, #tpu.memory_space<vmem>>, vector<16xi32>,
      tpu.vector_store %arg6[%swap3A_681], %add3A_680 {strides = array<i32>} : memref<3072xi32, #tpu.memory_space<vmem>>, vector<16xi32>,
      %add3A_683 = arith.constant 229376 : i32
      %add3A_684 = vector.broadcast %add3A_683 : i32 to vector<16xi32>
      %add3A_685 = arith.addi %get3A_612, %add3A_684 : vector<16xi32>
      %swap3A_686 = arith.constant 1872 : index
      %swap3A_687 = tpu.vector_load %arg6[%swap3A_686] {strides = array<i32>} : memref<3072xi32, #tpu.memory_space<vmem>>, vector<16xi32>,
      tpu.vector_store %arg6[%swap3A_686], %add3A_685 {strides = array<i32>} : memref<3072xi32, #tpu.memory_space<vmem>>, vector<16xi32>,
      %add3A_688 = arith.constant 245760 : i32
      %add3A_689 = vector.broadcast %add3A_688 : i32 to vector<16xi32>
      %add3A_690 = arith.addi %get3A_612, %add3A_689 : vector<16xi32>
      %swap3A_691 = arith.constant 2000 : index
      %swap3A_692 = tpu.vector_load %arg6[%swap3A_691] {strides = array<i32>} : memref<3072xi32, #tpu.memory_space<vmem>>, vector<16xi32>,
      tpu.vector_store %arg6[%swap3A_691], %add3A_690 {strides = array<i32>} : memref<3072xi32, #tpu.memory_space<vmem>>, vector<16xi32>,
      %add3A_693 = arith.constant 262144 : i32
      %add3A_694 = vector.broadcast %add3A_693 : i32 to vector<16xi32>
      %add3A_695 = arith.addi %get3A_612, %add3A_694 : vector<16xi32>
      %swap3A_696 = arith.constant 2128 : index
      %swap3A_697 = tpu.vector_load %arg6[%swap3A_696] {strides = array<i32>} : memref<3072xi32, #tpu.memory_space<vmem>>, vector<16xi32>,
      tpu.vector_store %arg6[%swap3A_696], %add3A_695 {strides = array<i32>} : memref<3072xi32, #tpu.memory_space<vmem>>, vector<16xi32>,
      %add3A_698 = arith.constant 278528 : i32
      %add3A_699 = vector.broadcast %add3A_698 : i32 to vector<16xi32>
      %add3A_700 = arith.addi %get3A_612, %add3A_699 : vector<16xi32>
      %swap3A_701 = arith.constant 2256 : index
      %swap3A_702 = tpu.vector_load %arg6[%swap3A_701] {strides = array<i32>} : memref<3072xi32, #tpu.memory_space<vmem>>, vector<16xi32>,
      tpu.vector_store %arg6[%swap3A_701], %add3A_700 {strides = array<i32>} : memref<3072xi32, #tpu.memory_space<vmem>>, vector<16xi32>,
      %add3A_703 = arith.constant 294912 : i32
      %add3A_704 = vector.broadcast %add3A_703 : i32 to vector<16xi32>
      %add3A_705 = arith.addi %get3A_612, %add3A_704 : vector<16xi32>
      %swap3A_706 = arith.constant 2384 : index
      %swap3A_707 = tpu.vector_load %arg6[%swap3A_706] {strides = array<i32>} : memref<3072xi32, #tpu.memory_space<vmem>>, vector<16xi32>,
      tpu.vector_store %arg6[%swap3A_706], %add3A_705 {strides = array<i32>} : memref<3072xi32, #tpu.memory_space<vmem>>, vector<16xi32>,
      %add3A_708 = arith.constant 311296 : i32
      %add3A_709 = vector.broadcast %add3A_708 : i32 to vector<16xi32>
      %add3A_710 = arith.addi %get3A_612, %add3A_709 : vector<16xi32>
      %swap3A_711 = arith.constant 2512 : index
      %swap3A_712 = tpu.vector_load %arg6[%swap3A_711] {strides = array<i32>} : memref<3072xi32, #tpu.memory_space<vmem>>, vector<16xi32>,
      tpu.vector_store %arg6[%swap3A_711], %add3A_710 {strides = array<i32>} : memref<3072xi32, #tpu.memory_space<vmem>>, vector<16xi32>,
      %add3A_713 = arith.constant 327680 : i32
      %add3A_714 = vector.broadcast %add3A_713 : i32 to vector<16xi32>
      %add3A_715 = arith.addi %get3A_612, %add3A_714 : vector<16xi32>
      %swap3A_716 = arith.constant 2640 : index
      %swap3A_717 = tpu.vector_load %arg6[%swap3A_716] {strides = array<i32>} : memref<3072xi32, #tpu.memory_space<vmem>>, vector<16xi32>,
      tpu.vector_store %arg6[%swap3A_716], %add3A_715 {strides = array<i32>} : memref<3072xi32, #tpu.memory_space<vmem>>, vector<16xi32>,
      %add3A_718 = arith.constant 344064 : i32
      %add3A_719 = vector.broadcast %add3A_718 : i32 to vector<16xi32>
      %add3A_720 = arith.addi %get3A_612, %add3A_719 : vector<16xi32>
      %swap3A_721 = arith.constant 2768 : index
      %swap3A_722 = tpu.vector_load %arg6[%swap3A_721] {strides = array<i32>} : memref<3072xi32, #tpu.memory_space<vmem>>, vector<16xi32>,
      tpu.vector_store %arg6[%swap3A_721], %add3A_720 {strides = array<i32>} : memref<3072xi32, #tpu.memory_space<vmem>>, vector<16xi32>,
      %add3A_723 = arith.constant 360448 : i32
      %add3A_724 = vector.broadcast %add3A_723 : i32 to vector<16xi32>
      %add3A_725 = arith.addi %get3A_612, %add3A_724 : vector<16xi32>
      %swap3A_726 = arith.constant 2896 : index
      %swap3A_727 = tpu.vector_load %arg6[%swap3A_726] {strides = array<i32>} : memref<3072xi32, #tpu.memory_space<vmem>>, vector<16xi32>,
      tpu.vector_store %arg6[%swap3A_726], %add3A_725 {strides = array<i32>} : memref<3072xi32, #tpu.memory_space<vmem>>, vector<16xi32>,
      %add3A_728 = arith.constant 376832 : i32
      %add3A_729 = vector.broadcast %add3A_728 : i32 to vector<16xi32>
      %add3A_730 = arith.addi %get3A_612, %add3A_729 : vector<16xi32>
      %swap3A_731 = arith.constant 3024 : index
      %swap3A_732 = tpu.vector_load %arg6[%swap3A_731] {strides = array<i32>} : memref<3072xi32, #tpu.memory_space<vmem>>, vector<16xi32>,
      tpu.vector_store %arg6[%swap3A_731], %add3A_730 {strides = array<i32>} : memref<3072xi32, #tpu.memory_space<vmem>>, vector<16xi32>,
      %get3A_733 = arith.constant 96 : index
      %get3A_734 = tpu.vector_load %arg5[%get3A_733] {strides = array<i32>} : memref<128xi32, #tpu.memory_space<vmem>>, vector<16xi32>,
      %add3A_735 = arith.constant 0 : i32
      %add3A_736 = vector.broadcast %add3A_735 : i32 to vector<16xi32>
      %add3A_737 = arith.addi %get3A_734, %add3A_736 : vector<16xi32>
      %swap3A_738 = arith.constant 96 : index
      %swap3A_739 = tpu.vector_load %arg6[%swap3A_738] {strides = array<i32>} : memref<3072xi32, #tpu.memory_space<vmem>>, vector<16xi32>,
      tpu.vector_store %arg6[%swap3A_738], %add3A_737 {strides = array<i32>} : memref<3072xi32, #tpu.memory_space<vmem>>, vector<16xi32>,
      %add3A_740 = arith.constant 16384 : i32
      %add3A_741 = vector.broadcast %add3A_740 : i32 to vector<16xi32>
      %add3A_742 = arith.addi %get3A_734, %add3A_741 : vector<16xi32>
      %swap3A_743 = arith.constant 224 : index
      %swap3A_744 = tpu.vector_load %arg6[%swap3A_743] {strides = array<i32>} : memref<3072xi32, #tpu.memory_space<vmem>>, vector<16xi32>,
      tpu.vector_store %arg6[%swap3A_743], %add3A_742 {strides = array<i32>} : memref<3072xi32, #tpu.memory_space<vmem>>, vector<16xi32>,
      %add3A_745 = arith.constant 32768 : i32
      %add3A_746 = vector.broadcast %add3A_745 : i32 to vector<16xi32>
      %add3A_747 = arith.addi %get3A_734, %add3A_746 : vector<16xi32>
      %swap3A_748 = arith.constant 352 : index
      %swap3A_749 = tpu.vector_load %arg6[%swap3A_748] {strides = array<i32>} : memref<3072xi32, #tpu.memory_space<vmem>>, vector<16xi32>,
      tpu.vector_store %arg6[%swap3A_748], %add3A_747 {strides = array<i32>} : memref<3072xi32, #tpu.memory_space<vmem>>, vector<16xi32>,
      %add3A_750 = arith.constant 49152 : i32
      %add3A_751 = vector.broadcast %add3A_750 : i32 to vector<16xi32>
      %add3A_752 = arith.addi %get3A_734, %add3A_751 : vector<16xi32>
      %swap3A_753 = arith.constant 480 : index
      %swap3A_754 = tpu.vector_load %arg6[%swap3A_753] {strides = array<i32>} : memref<3072xi32, #tpu.memory_space<vmem>>, vector<16xi32>,
      tpu.vector_store %arg6[%swap3A_753], %add3A_752 {strides = array<i32>} : memref<3072xi32, #tpu.memory_space<vmem>>, vector<16xi32>,
      %add3A_755 = arith.constant 65536 : i32
      %add3A_756 = vector.broadcast %add3A_755 : i32 to vector<16xi32>
      %add3A_757 = arith.addi %get3A_734, %add3A_756 : vector<16xi32>
      %swap3A_758 = arith.constant 608 : index
      %swap3A_759 = tpu.vector_load %arg6[%swap3A_758] {strides = array<i32>} : memref<3072xi32, #tpu.memory_space<vmem>>, vector<16xi32>,
      tpu.vector_store %arg6[%swap3A_758], %add3A_757 {strides = array<i32>} : memref<3072xi32, #tpu.memory_space<vmem>>, vector<16xi32>,
      %add3A_760 = arith.constant 81920 : i32
      %add3A_761 = vector.broadcast %add3A_760 : i32 to vector<16xi32>
      %add3A_762 = arith.addi %get3A_734, %add3A_761 : vector<16xi32>
      %swap3A_763 = arith.constant 736 : index
      %swap3A_764 = tpu.vector_load %arg6[%swap3A_763] {strides = array<i32>} : memref<3072xi32, #tpu.memory_space<vmem>>, vector<16xi32>,
      tpu.vector_store %arg6[%swap3A_763], %add3A_762 {strides = array<i32>} : memref<3072xi32, #tpu.memory_space<vmem>>, vector<16xi32>,
      %add3A_765 = arith.constant 98304 : i32
      %add3A_766 = vector.broadcast %add3A_765 : i32 to vector<16xi32>
      %add3A_767 = arith.addi %get3A_734, %add3A_766 : vector<16xi32>
      %swap3A_768 = arith.constant 864 : index
      %swap3A_769 = tpu.vector_load %arg6[%swap3A_768] {strides = array<i32>} : memref<3072xi32, #tpu.memory_space<vmem>>, vector<16xi32>,
      tpu.vector_store %arg6[%swap3A_768], %add3A_767 {strides = array<i32>} : memref<3072xi32, #tpu.memory_space<vmem>>, vector<16xi32>,
      %add3A_770 = arith.constant 114688 : i32
      %add3A_771 = vector.broadcast %add3A_770 : i32 to vector<16xi32>
      %add3A_772 = arith.addi %get3A_734, %add3A_771 : vector<16xi32>
      %swap3A_773 = arith.constant 992 : index
      %swap3A_774 = tpu.vector_load %arg6[%swap3A_773] {strides = array<i32>} : memref<3072xi32, #tpu.memory_space<vmem>>, vector<16xi32>,
      tpu.vector_store %arg6[%swap3A_773], %add3A_772 {strides = array<i32>} : memref<3072xi32, #tpu.memory_space<vmem>>, vector<16xi32>,
      %add3A_775 = arith.constant 131072 : i32
      %add3A_776 = vector.broadcast %add3A_775 : i32 to vector<16xi32>
      %add3A_777 = arith.addi %get3A_734, %add3A_776 : vector<16xi32>
      %swap3A_778 = arith.constant 1120 : index
      %swap3A_779 = tpu.vector_load %arg6[%swap3A_778] {strides = array<i32>} : memref<3072xi32, #tpu.memory_space<vmem>>, vector<16xi32>,
      tpu.vector_store %arg6[%swap3A_778], %add3A_777 {strides = array<i32>} : memref<3072xi32, #tpu.memory_space<vmem>>, vector<16xi32>,
      %add3A_780 = arith.constant 147456 : i32
      %add3A_781 = vector.broadcast %add3A_780 : i32 to vector<16xi32>
      %add3A_782 = arith.addi %get3A_734, %add3A_781 : vector<16xi32>
      %swap3A_783 = arith.constant 1248 : index
      %swap3A_784 = tpu.vector_load %arg6[%swap3A_783] {strides = array<i32>} : memref<3072xi32, #tpu.memory_space<vmem>>, vector<16xi32>,
      tpu.vector_store %arg6[%swap3A_783], %add3A_782 {strides = array<i32>} : memref<3072xi32, #tpu.memory_space<vmem>>, vector<16xi32>,
      %add3A_785 = arith.constant 163840 : i32
      %add3A_786 = vector.broadcast %add3A_785 : i32 to vector<16xi32>
      %add3A_787 = arith.addi %get3A_734, %add3A_786 : vector<16xi32>
      %swap3A_788 = arith.constant 1376 : index
      %swap3A_789 = tpu.vector_load %arg6[%swap3A_788] {strides = array<i32>} : memref<3072xi32, #tpu.memory_space<vmem>>, vector<16xi32>,
      tpu.vector_store %arg6[%swap3A_788], %add3A_787 {strides = array<i32>} : memref<3072xi32, #tpu.memory_space<vmem>>, vector<16xi32>,
      %add3A_790 = arith.constant 180224 : i32
      %add3A_791 = vector.broadcast %add3A_790 : i32 to vector<16xi32>
      %add3A_792 = arith.addi %get3A_734, %add3A_791 : vector<16xi32>
      %swap3A_793 = arith.constant 1504 : index
      %swap3A_794 = tpu.vector_load %arg6[%swap3A_793] {strides = array<i32>} : memref<3072xi32, #tpu.memory_space<vmem>>, vector<16xi32>,
      tpu.vector_store %arg6[%swap3A_793], %add3A_792 {strides = array<i32>} : memref<3072xi32, #tpu.memory_space<vmem>>, vector<16xi32>,
      %add3A_795 = arith.constant 196608 : i32
      %add3A_796 = vector.broadcast %add3A_795 : i32 to vector<16xi32>
      %add3A_797 = arith.addi %get3A_734, %add3A_796 : vector<16xi32>
      %swap3A_798 = arith.constant 1632 : index
      %swap3A_799 = tpu.vector_load %arg6[%swap3A_798] {strides = array<i32>} : memref<3072xi32, #tpu.memory_space<vmem>>, vector<16xi32>,
      tpu.vector_store %arg6[%swap3A_798], %add3A_797 {strides = array<i32>} : memref<3072xi32, #tpu.memory_space<vmem>>, vector<16xi32>,
      %add3A_800 = arith.constant 212992 : i32
      %add3A_801 = vector.broadcast %add3A_800 : i32 to vector<16xi32>
      %add3A_802 = arith.addi %get3A_734, %add3A_801 : vector<16xi32>
      %swap3A_803 = arith.constant 1760 : index
      %swap3A_804 = tpu.vector_load %arg6[%swap3A_803] {strides = array<i32>} : memref<3072xi32, #tpu.memory_space<vmem>>, vector<16xi32>,
      tpu.vector_store %arg6[%swap3A_803], %add3A_802 {strides = array<i32>} : memref<3072xi32, #tpu.memory_space<vmem>>, vector<16xi32>,
      %add3A_805 = arith.constant 229376 : i32
      %add3A_806 = vector.broadcast %add3A_805 : i32 to vector<16xi32>
      %add3A_807 = arith.addi %get3A_734, %add3A_806 : vector<16xi32>
      %swap3A_808 = arith.constant 1888 : index
      %swap3A_809 = tpu.vector_load %arg6[%swap3A_808] {strides = array<i32>} : memref<3072xi32, #tpu.memory_space<vmem>>, vector<16xi32>,
      tpu.vector_store %arg6[%swap3A_808], %add3A_807 {strides = array<i32>} : memref<3072xi32, #tpu.memory_space<vmem>>, vector<16xi32>,
      %add3A_810 = arith.constant 245760 : i32
      %add3A_811 = vector.broadcast %add3A_810 : i32 to vector<16xi32>
      %add3A_812 = arith.addi %get3A_734, %add3A_811 : vector<16xi32>
      %swap3A_813 = arith.constant 2016 : index
      %swap3A_814 = tpu.vector_load %arg6[%swap3A_813] {strides = array<i32>} : memref<3072xi32, #tpu.memory_space<vmem>>, vector<16xi32>,
      tpu.vector_store %arg6[%swap3A_813], %add3A_812 {strides = array<i32>} : memref<3072xi32, #tpu.memory_space<vmem>>, vector<16xi32>,
      %add3A_815 = arith.constant 262144 : i32
      %add3A_816 = vector.broadcast %add3A_815 : i32 to vector<16xi32>
      %add3A_817 = arith.addi %get3A_734, %add3A_816 : vector<16xi32>
      %swap3A_818 = arith.constant 2144 : index
      %swap3A_819 = tpu.vector_load %arg6[%swap3A_818] {strides = array<i32>} : memref<3072xi32, #tpu.memory_space<vmem>>, vector<16xi32>,
      tpu.vector_store %arg6[%swap3A_818], %add3A_817 {strides = array<i32>} : memref<3072xi32, #tpu.memory_space<vmem>>, vector<16xi32>,
      %add3A_820 = arith.constant 278528 : i32
      %add3A_821 = vector.broadcast %add3A_820 : i32 to vector<16xi32>
      %add3A_822 = arith.addi %get3A_734, %add3A_821 : vector<16xi32>
      %swap3A_823 = arith.constant 2272 : index
      %swap3A_824 = tpu.vector_load %arg6[%swap3A_823] {strides = array<i32>} : memref<3072xi32, #tpu.memory_space<vmem>>, vector<16xi32>,
      tpu.vector_store %arg6[%swap3A_823], %add3A_822 {strides = array<i32>} : memref<3072xi32, #tpu.memory_space<vmem>>, vector<16xi32>,
      %add3A_825 = arith.constant 294912 : i32
      %add3A_826 = vector.broadcast %add3A_825 : i32 to vector<16xi32>
      %add3A_827 = arith.addi %get3A_734, %add3A_826 : vector<16xi32>
      %swap3A_828 = arith.constant 2400 : index
      %swap3A_829 = tpu.vector_load %arg6[%swap3A_828] {strides = array<i32>} : memref<3072xi32, #tpu.memory_space<vmem>>, vector<16xi32>,
      tpu.vector_store %arg6[%swap3A_828], %add3A_827 {strides = array<i32>} : memref<3072xi32, #tpu.memory_space<vmem>>, vector<16xi32>,
      %add3A_830 = arith.constant 311296 : i32
      %add3A_831 = vector.broadcast %add3A_830 : i32 to vector<16xi32>
      %add3A_832 = arith.addi %get3A_734, %add3A_831 : vector<16xi32>
      %swap3A_833 = arith.constant 2528 : index
      %swap3A_834 = tpu.vector_load %arg6[%swap3A_833] {strides = array<i32>} : memref<3072xi32, #tpu.memory_space<vmem>>, vector<16xi32>,
      tpu.vector_store %arg6[%swap3A_833], %add3A_832 {strides = array<i32>} : memref<3072xi32, #tpu.memory_space<vmem>>, vector<16xi32>,
      %add3A_835 = arith.constant 327680 : i32
      %add3A_836 = vector.broadcast %add3A_835 : i32 to vector<16xi32>
      %add3A_837 = arith.addi %get3A_734, %add3A_836 : vector<16xi32>
      %swap3A_838 = arith.constant 2656 : index
      %swap3A_839 = tpu.vector_load %arg6[%swap3A_838] {strides = array<i32>} : memref<3072xi32, #tpu.memory_space<vmem>>, vector<16xi32>,
      tpu.vector_store %arg6[%swap3A_838], %add3A_837 {strides = array<i32>} : memref<3072xi32, #tpu.memory_space<vmem>>, vector<16xi32>,
      %add3A_840 = arith.constant 344064 : i32
      %add3A_841 = vector.broadcast %add3A_840 : i32 to vector<16xi32>
      %add3A_842 = arith.addi %get3A_734, %add3A_841 : vector<16xi32>
      %swap3A_843 = arith.constant 2784 : index
      %swap3A_844 = tpu.vector_load %arg6[%swap3A_843] {strides = array<i32>} : memref<3072xi32, #tpu.memory_space<vmem>>, vector<16xi32>,
      tpu.vector_store %arg6[%swap3A_843], %add3A_842 {strides = array<i32>} : memref<3072xi32, #tpu.memory_space<vmem>>, vector<16xi32>,
      %add3A_845 = arith.constant 360448 : i32
      %add3A_846 = vector.broadcast %add3A_845 : i32 to vector<16xi32>
      %add3A_847 = arith.addi %get3A_734, %add3A_846 : vector<16xi32>
      %swap3A_848 = arith.constant 2912 : index
      %swap3A_849 = tpu.vector_load %arg6[%swap3A_848] {strides = array<i32>} : memref<3072xi32, #tpu.memory_space<vmem>>, vector<16xi32>,
      tpu.vector_store %arg6[%swap3A_848], %add3A_847 {strides = array<i32>} : memref<3072xi32, #tpu.memory_space<vmem>>, vector<16xi32>,
      %add3A_850 = arith.constant 376832 : i32
      %add3A_851 = vector.broadcast %add3A_850 : i32 to vector<16xi32>
      %add3A_852 = arith.addi %get3A_734, %add3A_851 : vector<16xi32>
      %swap3A_853 = arith.constant 3040 : index
      %swap3A_854 = tpu.vector_load %arg6[%swap3A_853] {strides = array<i32>} : memref<3072xi32, #tpu.memory_space<vmem>>, vector<16xi32>,
      tpu.vector_store %arg6[%swap3A_853], %add3A_852 {strides = array<i32>} : memref<3072xi32, #tpu.memory_space<vmem>>, vector<16xi32>,
      %get3A_855 = arith.constant 112 : index
      %get3A_856 = tpu.vector_load %arg5[%get3A_855] {strides = array<i32>} : memref<128xi32, #tpu.memory_space<vmem>>, vector<16xi32>,
      %add3A_857 = arith.constant 0 : i32
      %add3A_858 = vector.broadcast %add3A_857 : i32 to vector<16xi32>
      %add3A_859 = arith.addi %get3A_856, %add3A_858 : vector<16xi32>
      %swap3A_860 = arith.constant 112 : index
      %swap3A_861 = tpu.vector_load %arg6[%swap3A_860] {strides = array<i32>} : memref<3072xi32, #tpu.memory_space<vmem>>, vector<16xi32>,
      tpu.vector_store %arg6[%swap3A_860], %add3A_859 {strides = array<i32>} : memref<3072xi32, #tpu.memory_space<vmem>>, vector<16xi32>,
      %add3A_862 = arith.constant 16384 : i32
      %add3A_863 = vector.broadcast %add3A_862 : i32 to vector<16xi32>
      %add3A_864 = arith.addi %get3A_856, %add3A_863 : vector<16xi32>
      %swap3A_865 = arith.constant 240 : index
      %swap3A_866 = tpu.vector_load %arg6[%swap3A_865] {strides = array<i32>} : memref<3072xi32, #tpu.memory_space<vmem>>, vector<16xi32>,
      tpu.vector_store %arg6[%swap3A_865], %add3A_864 {strides = array<i32>} : memref<3072xi32, #tpu.memory_space<vmem>>, vector<16xi32>,
      %add3A_867 = arith.constant 32768 : i32
      %add3A_868 = vector.broadcast %add3A_867 : i32 to vector<16xi32>
      %add3A_869 = arith.addi %get3A_856, %add3A_868 : vector<16xi32>
      %swap3A_870 = arith.constant 368 : index
      %swap3A_871 = tpu.vector_load %arg6[%swap3A_870] {strides = array<i32>} : memref<3072xi32, #tpu.memory_space<vmem>>, vector<16xi32>,
      tpu.vector_store %arg6[%swap3A_870], %add3A_869 {strides = array<i32>} : memref<3072xi32, #tpu.memory_space<vmem>>, vector<16xi32>,
      %add3A_872 = arith.constant 49152 : i32
      %add3A_873 = vector.broadcast %add3A_872 : i32 to vector<16xi32>
      %add3A_874 = arith.addi %get3A_856, %add3A_873 : vector<16xi32>
      %swap3A_875 = arith.constant 496 : index
      %swap3A_876 = tpu.vector_load %arg6[%swap3A_875] {strides = array<i32>} : memref<3072xi32, #tpu.memory_space<vmem>>, vector<16xi32>,
      tpu.vector_store %arg6[%swap3A_875], %add3A_874 {strides = array<i32>} : memref<3072xi32, #tpu.memory_space<vmem>>, vector<16xi32>,
      %add3A_877 = arith.constant 65536 : i32
      %add3A_878 = vector.broadcast %add3A_877 : i32 to vector<16xi32>
      %add3A_879 = arith.addi %get3A_856, %add3A_878 : vector<16xi32>
      %swap3A_880 = arith.constant 624 : index
      %swap3A_881 = tpu.vector_load %arg6[%swap3A_880] {strides = array<i32>} : memref<3072xi32, #tpu.memory_space<vmem>>, vector<16xi32>,
      tpu.vector_store %arg6[%swap3A_880], %add3A_879 {strides = array<i32>} : memref<3072xi32, #tpu.memory_space<vmem>>, vector<16xi32>,
      %add3A_882 = arith.constant 81920 : i32
      %add3A_883 = vector.broadcast %add3A_882 : i32 to vector<16xi32>
      %add3A_884 = arith.addi %get3A_856, %add3A_883 : vector<16xi32>
      %swap3A_885 = arith.constant 752 : index
      %swap3A_886 = tpu.vector_load %arg6[%swap3A_885] {strides = array<i32>} : memref<3072xi32, #tpu.memory_space<vmem>>, vector<16xi32>,
      tpu.vector_store %arg6[%swap3A_885], %add3A_884 {strides = array<i32>} : memref<3072xi32, #tpu.memory_space<vmem>>, vector<16xi32>,
      %add3A_887 = arith.constant 98304 : i32
      %add3A_888 = vector.broadcast %add3A_887 : i32 to vector<16xi32>
      %add3A_889 = arith.addi %get3A_856, %add3A_888 : vector<16xi32>
      %swap3A_890 = arith.constant 880 : index
      %swap3A_891 = tpu.vector_load %arg6[%swap3A_890] {strides = array<i32>} : memref<3072xi32, #tpu.memory_space<vmem>>, vector<16xi32>,
      tpu.vector_store %arg6[%swap3A_890], %add3A_889 {strides = array<i32>} : memref<3072xi32, #tpu.memory_space<vmem>>, vector<16xi32>,
      %add3A_892 = arith.constant 114688 : i32
      %add3A_893 = vector.broadcast %add3A_892 : i32 to vector<16xi32>
      %add3A_894 = arith.addi %get3A_856, %add3A_893 : vector<16xi32>
      %swap3A_895 = arith.constant 1008 : index
      %swap3A_896 = tpu.vector_load %arg6[%swap3A_895] {strides = array<i32>} : memref<3072xi32, #tpu.memory_space<vmem>>, vector<16xi32>,
      tpu.vector_store %arg6[%swap3A_895], %add3A_894 {strides = array<i32>} : memref<3072xi32, #tpu.memory_space<vmem>>, vector<16xi32>,
      %add3A_897 = arith.constant 131072 : i32
      %add3A_898 = vector.broadcast %add3A_897 : i32 to vector<16xi32>
      %add3A_899 = arith.addi %get3A_856, %add3A_898 : vector<16xi32>
      %swap3A_900 = arith.constant 1136 : index
      %swap3A_901 = tpu.vector_load %arg6[%swap3A_900] {strides = array<i32>} : memref<3072xi32, #tpu.memory_space<vmem>>, vector<16xi32>,
      tpu.vector_store %arg6[%swap3A_900], %add3A_899 {strides = array<i32>} : memref<3072xi32, #tpu.memory_space<vmem>>, vector<16xi32>,
      %add3A_902 = arith.constant 147456 : i32
      %add3A_903 = vector.broadcast %add3A_902 : i32 to vector<16xi32>
      %add3A_904 = arith.addi %get3A_856, %add3A_903 : vector<16xi32>
      %swap3A_905 = arith.constant 1264 : index
      %swap3A_906 = tpu.vector_load %arg6[%swap3A_905] {strides = array<i32>} : memref<3072xi32, #tpu.memory_space<vmem>>, vector<16xi32>,
      tpu.vector_store %arg6[%swap3A_905], %add3A_904 {strides = array<i32>} : memref<3072xi32, #tpu.memory_space<vmem>>, vector<16xi32>,
      %add3A_907 = arith.constant 163840 : i32
      %add3A_908 = vector.broadcast %add3A_907 : i32 to vector<16xi32>
      %add3A_909 = arith.addi %get3A_856, %add3A_908 : vector<16xi32>
      %swap3A_910 = arith.constant 1392 : index
      %swap3A_911 = tpu.vector_load %arg6[%swap3A_910] {strides = array<i32>} : memref<3072xi32, #tpu.memory_space<vmem>>, vector<16xi32>,
      tpu.vector_store %arg6[%swap3A_910], %add3A_909 {strides = array<i32>} : memref<3072xi32, #tpu.memory_space<vmem>>, vector<16xi32>,
      %add3A_912 = arith.constant 180224 : i32
      %add3A_913 = vector.broadcast %add3A_912 : i32 to vector<16xi32>
      %add3A_914 = arith.addi %get3A_856, %add3A_913 : vector<16xi32>
      %swap3A_915 = arith.constant 1520 : index
      %swap3A_916 = tpu.vector_load %arg6[%swap3A_915] {strides = array<i32>} : memref<3072xi32, #tpu.memory_space<vmem>>, vector<16xi32>,
      tpu.vector_store %arg6[%swap3A_915], %add3A_914 {strides = array<i32>} : memref<3072xi32, #tpu.memory_space<vmem>>, vector<16xi32>,
      %add3A_917 = arith.constant 196608 : i32
      %add3A_918 = vector.broadcast %add3A_917 : i32 to vector<16xi32>
      %add3A_919 = arith.addi %get3A_856, %add3A_918 : vector<16xi32>
      %swap3A_920 = arith.constant 1648 : index
      %swap3A_921 = tpu.vector_load %arg6[%swap3A_920] {strides = array<i32>} : memref<3072xi32, #tpu.memory_space<vmem>>, vector<16xi32>,
      tpu.vector_store %arg6[%swap3A_920], %add3A_919 {strides = array<i32>} : memref<3072xi32, #tpu.memory_space<vmem>>, vector<16xi32>,
      %add3A_922 = arith.constant 212992 : i32
      %add3A_923 = vector.broadcast %add3A_922 : i32 to vector<16xi32>
      %add3A_924 = arith.addi %get3A_856, %add3A_923 : vector<16xi32>
      %swap3A_925 = arith.constant 1776 : index
      %swap3A_926 = tpu.vector_load %arg6[%swap3A_925] {strides = array<i32>} : memref<3072xi32, #tpu.memory_space<vmem>>, vector<16xi32>,
      tpu.vector_store %arg6[%swap3A_925], %add3A_924 {strides = array<i32>} : memref<3072xi32, #tpu.memory_space<vmem>>, vector<16xi32>,
      %add3A_927 = arith.constant 229376 : i32
      %add3A_928 = vector.broadcast %add3A_927 : i32 to vector<16xi32>
      %add3A_929 = arith.addi %get3A_856, %add3A_928 : vector<16xi32>
      %swap3A_930 = arith.constant 1904 : index
      %swap3A_931 = tpu.vector_load %arg6[%swap3A_930] {strides = array<i32>} : memref<3072xi32, #tpu.memory_space<vmem>>, vector<16xi32>,
      tpu.vector_store %arg6[%swap3A_930], %add3A_929 {strides = array<i32>} : memref<3072xi32, #tpu.memory_space<vmem>>, vector<16xi32>,
      %add3A_932 = arith.constant 245760 : i32
      %add3A_933 = vector.broadcast %add3A_932 : i32 to vector<16xi32>
      %add3A_934 = arith.addi %get3A_856, %add3A_933 : vector<16xi32>
      %swap3A_935 = arith.constant 2032 : index
      %swap3A_936 = tpu.vector_load %arg6[%swap3A_935] {strides = array<i32>} : memref<3072xi32, #tpu.memory_space<vmem>>, vector<16xi32>,
      tpu.vector_store %arg6[%swap3A_935], %add3A_934 {strides = array<i32>} : memref<3072xi32, #tpu.memory_space<vmem>>, vector<16xi32>,
      %add3A_937 = arith.constant 262144 : i32
      %add3A_938 = vector.broadcast %add3A_937 : i32 to vector<16xi32>
      %add3A_939 = arith.addi %get3A_856, %add3A_938 : vector<16xi32>
      %swap3A_940 = arith.constant 2160 : index
      %swap3A_941 = tpu.vector_load %arg6[%swap3A_940] {strides = array<i32>} : memref<3072xi32, #tpu.memory_space<vmem>>, vector<16xi32>,
      tpu.vector_store %arg6[%swap3A_940], %add3A_939 {strides = array<i32>} : memref<3072xi32, #tpu.memory_space<vmem>>, vector<16xi32>,
      %add3A_942 = arith.constant 278528 : i32
      %add3A_943 = vector.broadcast %add3A_942 : i32 to vector<16xi32>
      %add3A_944 = arith.addi %get3A_856, %add3A_943 : vector<16xi32>
      %swap3A_945 = arith.constant 2288 : index
      %swap3A_946 = tpu.vector_load %arg6[%swap3A_945] {strides = array<i32>} : memref<3072xi32, #tpu.memory_space<vmem>>, vector<16xi32>,
      tpu.vector_store %arg6[%swap3A_945], %add3A_944 {strides = array<i32>} : memref<3072xi32, #tpu.memory_space<vmem>>, vector<16xi32>,
      %add3A_947 = arith.constant 294912 : i32
      %add3A_948 = vector.broadcast %add3A_947 : i32 to vector<16xi32>
      %add3A_949 = arith.addi %get3A_856, %add3A_948 : vector<16xi32>
      %swap3A_950 = arith.constant 2416 : index
      %swap3A_951 = tpu.vector_load %arg6[%swap3A_950] {strides = array<i32>} : memref<3072xi32, #tpu.memory_space<vmem>>, vector<16xi32>,
      tpu.vector_store %arg6[%swap3A_950], %add3A_949 {strides = array<i32>} : memref<3072xi32, #tpu.memory_space<vmem>>, vector<16xi32>,
      %add3A_952 = arith.constant 311296 : i32
      %add3A_953 = vector.broadcast %add3A_952 : i32 to vector<16xi32>
      %add3A_954 = arith.addi %get3A_856, %add3A_953 : vector<16xi32>
      %swap3A_955 = arith.constant 2544 : index
      %swap3A_956 = tpu.vector_load %arg6[%swap3A_955] {strides = array<i32>} : memref<3072xi32, #tpu.memory_space<vmem>>, vector<16xi32>,
      tpu.vector_store %arg6[%swap3A_955], %add3A_954 {strides = array<i32>} : memref<3072xi32, #tpu.memory_space<vmem>>, vector<16xi32>,
      %add3A_957 = arith.constant 327680 : i32
      %add3A_958 = vector.broadcast %add3A_957 : i32 to vector<16xi32>
      %add3A_959 = arith.addi %get3A_856, %add3A_958 : vector<16xi32>
      %swap3A_960 = arith.constant 2672 : index
      %swap3A_961 = tpu.vector_load %arg6[%swap3A_960] {strides = array<i32>} : memref<3072xi32, #tpu.memory_space<vmem>>, vector<16xi32>,
      tpu.vector_store %arg6[%swap3A_960], %add3A_959 {strides = array<i32>} : memref<3072xi32, #tpu.memory_space<vmem>>, vector<16xi32>,
      %add3A_962 = arith.constant 344064 : i32
      %add3A_963 = vector.broadcast %add3A_962 : i32 to vector<16xi32>
      %add3A_964 = arith.addi %get3A_856, %add3A_963 : vector<16xi32>
      %swap3A_965 = arith.constant 2800 : index
      %swap3A_966 = tpu.vector_load %arg6[%swap3A_965] {strides = array<i32>} : memref<3072xi32, #tpu.memory_space<vmem>>, vector<16xi32>,
      tpu.vector_store %arg6[%swap3A_965], %add3A_964 {strides = array<i32>} : memref<3072xi32, #tpu.memory_space<vmem>>, vector<16xi32>,
      %add3A_967 = arith.constant 360448 : i32
      %add3A_968 = vector.broadcast %add3A_967 : i32 to vector<16xi32>
      %add3A_969 = arith.addi %get3A_856, %add3A_968 : vector<16xi32>
      %swap3A_970 = arith.constant 2928 : index
      %swap3A_971 = tpu.vector_load %arg6[%swap3A_970] {strides = array<i32>} : memref<3072xi32, #tpu.memory_space<vmem>>, vector<16xi32>,
      tpu.vector_store %arg6[%swap3A_970], %add3A_969 {strides = array<i32>} : memref<3072xi32, #tpu.memory_space<vmem>>, vector<16xi32>,
      %add3A_972 = arith.constant 376832 : i32
      %add3A_973 = vector.broadcast %add3A_972 : i32 to vector<16xi32>
      %add3A_974 = arith.addi %get3A_856, %add3A_973 : vector<16xi32>
      %swap3A_975 = arith.constant 3056 : index
      %swap3A_976 = tpu.vector_load %arg6[%swap3A_975] {strides = array<i32>} : memref<3072xi32, #tpu.memory_space<vmem>>, vector<16xi32>,
      tpu.vector_store %arg6[%swap3A_975], %add3A_974 {strides = array<i32>} : memref<3072xi32, #tpu.memory_space<vmem>>, vector<16xi32>,
      %dma_start3A = arith.constant 0 : i32
      %dma_start3A_977 = tpu.memref_slice %arg2[%dma_start3A] : memref<393216xf32, #tpu.memory_space<hbm>> -> memref<393216xf32, #tpu.memory_space<hbm>>
      tpu.enqueue_indirect_dma source(%dma_start3A_977 : memref<393216xf32, #tpu.memory_space<hbm>>) target(%arg7 : memref<3072xf32, #tpu.memory_space<vmem>>) offsets(%arg6 : memref<3072xi32, #tpu.memory_space<vmem>>) semaphore(%arg8 : memref<!tpu.dma_semaphore, #tpu.memory_space<semaphore_mem>>)
      %dma_wait3A = arith.constant 0 : i32
      %dma_wait3A_978 = tpu.memref_slice %arg2[%dma_wait3A] : memref<393216xf32, #tpu.memory_space<hbm>> -> memref<393216xf32, #tpu.memory_space<hbm>>
      tpu.wait_indirect_dma semaphore(%arg8 : memref<!tpu.dma_semaphore, #tpu.memory_space<semaphore_mem>>) src(%dma_wait3A_978 : memref<393216xf32, #tpu.memory_space<hbm>>) dst(%arg7 : memref<3072xf32, #tpu.memory_space<vmem>>)
      "tpu.region"() ({
        %run_scoped3A = tpu.sem_alloc : memref<!tpu.dma_semaphore, #tpu.memory_space<semaphore_mem>>
        tpu.enqueue_dma source(%arg7 : memref<3072xf32, #tpu.memory_space<vmem>>) target(%arg4 : memref<3072xf32, #tpu.memory_space<hbm>>) target_semaphore(%run_scoped3A : memref<!tpu.dma_semaphore, #tpu.memory_space<semaphore_mem>>)
        tpu.wait_dma2 semaphore(%run_scoped3A : memref<!tpu.dma_semaphore, #tpu.memory_space<semaphore_mem>>) src(%arg7 : memref<3072xf32, #tpu.memory_space<vmem>>) dst(%arg4 : memref<3072xf32, #tpu.memory_space<hbm>>)
        tpu.yield
      }) : () -> ()
    } else {
    }
    return
  }
}

</mosaic_0001>

<sc_bundles>
// kernel: _k0.3.cloned.1.call-start
scs
__scs_entry_jumppad:
0x0: {  	(pc) =	sbr.rel $0x88, $3  }
0x1: {  	(tag) =	ssettag $0x0;
	lr =	simm.s32 $0x1  }
0x2: {  	[smem:$0x3F9F] =	sst lr;
	_ =	strace $0xD0000000  }
0x3: {  	_ = 	snop  }
0x4: {  	_ = 	snop  }
0x5: {  	_ = 	snop  }
0x6: {  	_ = 	snop  }
0x7: {  	_ = 	snop  }
__scs_overlays_trampoline_lowered:
0x8: {  	[smem:$0x3FAE] =	sst s0  }
0x9: {  	[smem:$0x3FAF] =	sst s1  }
0xa: {  	[smem:$0x3FB0] =	sst s2  }
0xb: {  	[smem:$0x3FB1] =	sst s3  }
0xc: {  	[smem:$0x3FB2] =	sst s4  }
0xd: {  	[smem:$0x3FB3] =	sst s5  }
0xe: {  	[smem:$0x3FB4] =	sst s6  }
0xf: {  	[smem:$0x3FB5] =	sst s7  }
0x10: {  	[smem:$0x3FB6] =	sst s8  }
0x11: {  	[smem:$0x3FB7] =	sst s9;
	s0 =	simm.s32 @!p0 $0x0  }
0x12: {  	s1 =	sld [smem:$0x3F9D];
	s0 =	simm.s32 @p0 $0x1  }
0x13: {  	[smem:$0x3FB8] =	sst s0;
	s0 =	simm.s32 @!p1 $0x0  }
0x14: {  	s2 =	sld [smem:$0x3F9C];
	s0 =	simm.s32 @p1 $0x1  }
0x15: {  	[smem:$0x3FB9] =	sst s0;
	s0 =	simm.s32 @!p2 $0x0  }
0x16: {  	s3 =	sld [smem:$0x3FDB];
	s0 =	simm.s32 @p2 $0x1  }
0x17: {  	s4 =	simm.s32 $0x1BF5;
	[smem:$0x3FBB] =	sst s0  }
0x18: {  	s0 =	sld [smem:$0x3F9E];
	_ =	swait.ge [sflag:s4], $0x0  }
0x19: {  	s7 =	sld [smem:$0x3F9F]  }
0x1a: {  	s8 =	sadd.s32 $0xFFFFE003, lr  }
0x1b: {  	s9 =	sadd.s32 $0xFFFFFEF7, lr;
	s5 =	simm.s32 $0xFFFFFFFF;
	p2 =	slt.u32 s8, $0xFFFFF086  }
0x1c: {  	p1 =	slt.u32 s9, $0xF7A;
	s5 =	simm.s32 @!p2 $0x0  }
0x1d: {  	s5 =	simm.s32 @p1 $0x1;
	p0 =	seq.s32 s7, s2  }
0x1e: {  	s7 =	smul.u32 @!p0 $0xF7A, s2;
	p2 =	seq.s32 @!p0 s5, $0x0  }
0x1f: {  	s9 =	smul.u32 $0xF7A, s1;
	s8 =	simm.s32 @!p0 $0x1BF5;
	p2 =	por !p2, p0  }
0x20: {  	[sflag:s8] =	ssyncset.s32 @!p0 $0xFFFFF086;
	s6 =	sadd.s32 @!p0 s3, s7;
	s7 =	simm.s32 @!p0 $0x108  }
0x21: {  	s3 =	sadd.s32 s3, s9;
	s6 =	sadd.s32 @!p0 $0x88, s6;
	s7 =	simm.s32 @p2 $0x1082  }
0x22: {  	[simem:s7], [sflag:s8] =	dma.local @!p0 [hbm:s6], $0xF7A  }
0x23: {  	s9 =	sor.u32 $0xD0000000, s2;
	s6 =	simm.s32 $0x108;
	_ =	swait.ge @!p0 [sflag:s8], $0x0  }
0x24: {  	s3 =	sadd.s32 $0x88, s3;
	s6 =	simm.s32 @!p1 $0x1082;
	[sflag:s4] =	ssyncset.s32 $0xFFFFF086  }
0x25: {  	[simem:s6], [sflag:s4] =	dma.local [hbm:s3], $0xF7A  }
0x26: {  	[smem:$0x3F9F] =	sst s1;
	(tag) =	ssettag s2;
	_ =	strace s9  }
0x27: {  	s1 =	sld [smem:$0x3FAF]  }
0x28: {  	s2 =	sld [smem:$0x3FB0]  }
0x29: {  	s4 =	sld [smem:$0x3FB2]  }
0x2a: {  	p0 =	seq.s32 s5, $0x0;
	s5 =	sld [smem:$0x3FB3]  }
0x2b: {  	s6 =	sld [smem:$0x3FB4]  }
0x2c: {  	s7 =	sld [smem:$0x3FB5]  }
0x2d: {  	s3 =	simm.s32 $0x108;
	s8 =	sld [smem:$0x3FB6]  }
0x2e: {  	s3 =	simm.s32 @!p0 $0x1082;
	s9 =	sld [smem:$0x3FB7]  }
0x2f: {  	lr =	sadd.s32 s0, s3;
	s0 =	sld [smem:$0x3FAE]  }
0x30: {  	s3 =	sld [smem:$0x3FB1]  }
0x31: {  	[smem:$0x3FBA] =	sst s10  }
0x32: {  	s10 =	sld [smem:$0x3FB8];
	_ =	sdelay $0x3  }
0x33: {  	p0 =	seq.s32 s10, $0x1;
	s10 =	sld [smem:$0x3FBA];
	_ =	sdelay $0x3  }
0x34: {  	[smem:$0x3FBA] =	sst s10  }
0x35: {  	s10 =	sld [smem:$0x3FB9];
	_ =	sdelay $0x3  }
0x36: {  	p1 =	seq.s32 s10, $0x1;
	s10 =	sld [smem:$0x3FBA];
	_ =	sdelay $0x3  }
0x37: {  	[smem:$0x3FBA] =	sst s10  }
0x38: {  	s10 =	sld [smem:$0x3FBB]  }
0x39: {  	_ = 	snop;
	(pc) =	sbr.ind lr, $3  }
0x3a: {  	_ = 	snop  }
0x3b: {  	_ = 	snop  }
0x3c: {  	p2 =	seq.s32 s10, $0x1;
	s10 =	sld [smem:$0x3FBA]  }
0x3d: {  	_ =	shalt  }
0x3e: {  	_ =	shalt  }
0x3f: {  	_ =	shalt  }
0x40: {  	_ =	shalt  }
0x41: {  	_ =	shalt  }
0x42: {  	_ =	shalt  }
0x43: {  	_ =	shalt  }
0x44: {  	_ =	shalt  }
0x45: {  	_ =	shalt  }
0x46: {  	_ =	shalt  }
0x47: {  	_ =	shalt  }
0x48: {  	_ =	shalt  }
0x49: {  	_ =	shalt  }
0x4a: {  	_ =	shalt  }
0x4b: {  	_ =	shalt  }
0x4c: {  	_ =	shalt  }
0x4d: {  	_ =	shalt  }
0x4e: {  	_ =	shalt  }
0x4f: {  	_ =	shalt  }
0x50: {  	_ =	shalt  }
0x51: {  	_ =	shalt  }
0x52: {  	_ =	shalt  }
0x53: {  	_ =	shalt  }
0x54: {  	_ =	shalt  }
0x55: {  	_ =	shalt  }
0x56: {  	_ =	shalt  }
0x57: {  	_ =	shalt  }
0x58: {  	_ =	shalt  }
0x59: {  	_ =	shalt  }
0x5a: {  	_ =	shalt  }
0x5b: {  	_ =	shalt  }
0x5c: {  	_ =	shalt  }
0x5d: {  	_ =	shalt  }
0x5e: {  	_ =	shalt  }
0x5f: {  	_ =	shalt  }
0x60: {  	_ =	shalt  }
0x61: {  	_ =	shalt  }
0x62: {  	_ =	shalt  }
0x63: {  	_ =	shalt  }
0x64: {  	_ =	shalt  }
0x65: {  	_ =	shalt  }
0x66: {  	_ =	shalt  }
0x67: {  	_ =	shalt  }
0x68: {  	_ =	shalt  }
0x69: {  	_ =	shalt  }
0x6a: {  	_ =	shalt  }
0x6b: {  	_ =	shalt  }
0x6c: {  	_ =	shalt  }
0x6d: {  	_ =	shalt  }
0x6e: {  	_ =	shalt  }
0x6f: {  	_ =	shalt  }
0x70: {  	_ =	shalt  }
0x71: {  	_ =	shalt  }
0x72: {  	_ =	shalt  }
0x73: {  	_ =	shalt  }
0x74: {  	_ =	shalt  }
0x75: {  	_ =	shalt  }
0x76: {  	_ =	shalt  }
0x77: {  	_ =	shalt  }
0x78: {  	_ =	shalt  }
0x79: {  	_ =	shalt  }
0x7a: {  	_ =	shalt  }
0x7b: {  	_ =	shalt  }
0x7c: {  	_ =	shalt  }
0x7d: {  	_ =	shalt  }
0x7e: {  	_ =	shalt  }
0x7f: {  	_ =	shalt  }
0x80: {  	_ =	shalt  }
0x81: {  	_ =	shalt  }
0x82: {  	_ =	shalt  }
0x83: {  	_ =	shalt  }
0x84: {  	_ =	shalt  }
0x85: {  	_ =	shalt  }
0x86: {  	_ =	shalt  }
0x87: {  	_ =	shalt  }
.Lfunc_end0:
.L_simem_size_0:
called_computation_lowered:
.L_overlay_start_0:
0x88: {  	s2 =	sld [smem:$0x3FD9]  }
0x89: {  	s3 =	sld [smem:$0x3FFE];
	_ =	sdelay $0x1  }
0x8a: {  	s1 =	srdreg.scid  }
0x8b: {  	s0 =	sand.u32 $0x1, s1  }
0x8c: {  	s17 =	sshll.u32 s0, $0xA;
	s2 =	sadd.s32 s3, s2  }
0x8d: {  	s2 =	sadd.s32 s2, s17  }
0x8e: {  	[smem:$0x3FC6] =	sst s2  }
0x8f: {  	_ = 	snop  }
0x90: {  	s2 =	sld [smem:$0x3FC8]  }
0x91: {  	s18 =	sld [smem:$0x3FD0];
	(tm) =	ssettm $0x1  }
0x92: {  	s4 =	sld [smem:$0x3FFB];
	_ =	sdelay $0x3  }
0x93: {  	_ =	strace s4  }
0x94: {  	s4 =	sld [smem:$0x3FFC];
	_ =	sdelay $0x3  }
0x95: {  	_ =	strace s4  }
0x96: {  	s4 =	sld [smem:$0x3FFD];
	_ =	sdelay $0x3  }
0x97: {  	_ =	strace s4  }
0x98: {  	_ =	strace $0x8FFFFFFF  }
0x99: {  	s19 =	sld [smem:$0x3FDB];
	_ =	sdelay $0x1  }
0x9a: {  	s5 =	simm.s32 $_scs_section_size  }
0x9b: {  	s6 =	simm.s32 $_size__tile_overlayer_lowered;
	s7 =	simm.s32 $_tile_overlayer_lowered  }
0x9c: {  	s22 =	simm.s32 $0x1BFF;
	s21 =	sshll.u32 s7, $0x1;
	s4 =	sadd.s32 s5, s19  }
0x9d: {  	s8 =	simm.s32 $0x0;
	s20 =	sshll.u32 s6, $0x1;
	s6 =	sadd.s32 s21, s4  }
0x9e: {  	[timem:s8], [sflag:s22] =	dma.local [hbm:s6], s20  }
0x9f: {  	_ =	swait.ge [sflag:s22], s20  }
0xa0: {  	s5 =	ssub.s32 $0x0, s20;
	[sflag:s22] =	ssyncset.done $0x0  }
0xa1: {  	[sflag:s22] =	ssyncadd.s32 s5;
	_ =	sdelay $0x1  }
0xa2: {  	s23 =	simm.s32 $0x1B8B  }
0xa3: {  	_ =	swait.ge [sflag:s23], $0x1  }
0xa4: {  	[sflag:s23] =	ssyncset.done $0x0  }
0xa5: {  	s25 =	simm.s32 $0x1B8E;
	s24 =	sld [smem:$0x3FFE];
	[sflag:s23] =	ssyncadd.s32 $0xFFFFFFFF  }
0xa6: {  	s26 =	simm.s32 $execute0_lowered;
	[smem:$0x3FD2] =	sst s25  }
0xa7: {  	s6 =	sshll.u32 s26, $0x1;
	_ =	strace $0x80000046;
	[dreg:$0x1] =	wrdreg $0xFFFFFFFF  }
0xa8: {  	s28 =	simm.s32 $_size_execute0_lowered;
	s4 =	sadd.s32 s4, s6;
	[dreg:$0x0] =	wrdreg $0x0  }
0xa9: {  	s6 =	sshll.u32 s28, $0x1;
	[dreg:$0x2] =	wrdreg s4  }
0xaa: {  	[dreg:$0x3] =	wrdreg s6  }
0xab: {  	[dreg:$0x4] =	wrdreg $0xC0  }
0xac: {  	_ =	task [dreg:s8], $0x5FFFF  }
0xad: {  	[dreg:$0x1] =	wrdreg $0xFFFFFFFF  }
0xae: {  	[dreg:$0x0] =	wrdreg $0x60  }
0xaf: {  	[dreg:$0x2] =	wrdreg s24  }
0xb0: {  	[dreg:$0x3] =	wrdreg s2  }
0xb1: {  	[dreg:$0x4] =	wrdreg s18  }
0xb2: {  	[dreg:$0x5] =	wrdreg $0x9  }
0xb3: {  	_ =	task.clear_ibuf [dreg:s8], $0x6FFFF;
	_ =	strace $0x90000046  }
0xb4: {  	s29 =	simm.s32 $0x9;
	_ =	strace $0x80000048  }
0xb5: {  	_ =	swait.ge [sflag:s29], $0x1  }
0xb6: {  	[sflag:s29] =	ssyncadd.s32 $0xFFFFFFFF  }
0xb7: {  	_ =	strace $0x90000048  }
0xb8: {  	_ =	sfence  }
0xb9: {  	s30 =	sld [smem:$0x0];
	_ =	sdelay $0x2  }
0xba: {  	s31 =	sshll.u32 s1, $0xD;
	s1 =	sshrl.u32 s1, $0x2  }
0xbb: {  	s3 =	sand.u32 $0x4000, s31;
	s1 =	sadd.s32 s1, s30  }
0xbc: {  	s0 =	sor.u32 s3, s0;
	s1 =	sshll.u32 s1, $0x11  }
0xbd: {  	s0 =	sor.u32 s1, s0  }
0xbe: {  	s0 =	sadd.s32 $0x8F2B, s0  }
0xbf: {  	[sflag:s0] =	ssyncadd.remote.s32 $0x1  }
0xc0: {  	_ =	sfence.sel $0xFFFF  }
0xc1: {  	[dreg:$0x0] =	wrdreg $0xFFFFFFFF;
	(pc) =	sbr.abs _section_cstart, $3  }
0xc2: {  	[dreg:$0x1] =	wrdreg $0xFFFFFFFF  }
0xc3: {  	_ =	task.clear_ibuf [dreg:s8], $0x2FFFF;
	_ =	strace $0x9FFFFFFF  }
0xc4: {  	(tm) =	ssettm $0x7FFFFFFF  }
0xc5: {  	_ =	shalt  }
tec
execute0_lowered:
.L_overlay_start_1:
0x0: {  	(tag) =	ssettag $0x1  }
0x1: {  	s0 =	srdreg.scid  }
0x2: {  	s5 =	sand.u32 $0x1, s0;
	s0 =	stileid.u32  }
0x3: {  	s6 =	sshll.u32 s0, $0x1;
	s7 =	ssub.s32 $0x0, s5  }
0x4: {  	p0 =	sne.s32 s6, s7  }
.Ltmp0:
0x5: {  	_ = 	snop;
	(pc) =	sbr.rel @p0 .LBB2_3-.Ltmp0, $4  }
0x6: {  	s4 =	rddreg [dreg:$0x0]  }
0x7: {  	s2 =	rddreg [dreg:$0x1]  }
0x8: {  	s3 =	rddreg [dreg:$0x2]  }
0x9: {  	s1 =	rddreg [dreg:$0x3];
	_ =	strace $0x80000047  }
0xa: {  	s5 =	ssub.s32 $0x2, s5;
	s4 =	sadd.s32 $0x400, s4  }
0xb: {  	s7 =	simm.s32 $0x2;
	s8 =	simm.s32 $0xC00;
	s6 =	sshrl.u32 s5, $0x1  }
0xc: {  	s9 =	simm.s32 $0x80;
	s10 =	simm.s32 $0xC80;
	s5 =	ssub.s32 s5, s6  }
0xd: {  	s11 =	simm.s32 $0x1;
	s6 =	simm.s32 $0x0;
	s5 =	smax.u32 s5, $0x1  }
.LBB2_2:
0xe: {  	[tilespmem:s6], [sflag:$0x2] =	stream.linear.gather [hbm4b:s2+s6], $0x80, $0x38;
	[tilespmem:$0x1880] =	vst v63  }
0xf: {  	_ =	swait.ge [sflag:s7], $0x80  }
0x10: {  	[sflag:s7] =	ssyncset.done $0x0  }
0x11: {  	[sflag:s7] =	ssyncadd.s32 $0xFFFFFF80  }
0x12: {  	v0 =	vld [tilespmem:$0x0]  }
0x13: {  	v2 =	vld [tilespmem:$0x10]  }
0x14: {  	v37 =	vld [tilespmem:$0x20];
	_ =	sdelay $0x2  }
0x15: {  	[tilespmem:$0x80] =	vst v0  }
0x16: {  	[tilespmem:$0x90] =	vst v2  }
0x17: {  	v1 =	vadd.s32 $0x4000, v0;
	[tilespmem:$0xA0] =	vst v37  }
0x18: {  	v56 =	vadd.s32 $0x8000, v0;
	[tilespmem:$0x100] =	vst v1  }
0x19: {  	v57 =	vadd.s32 $0xC000, v0;
	[tilespmem:$0x180] =	vst v56  }
0x1a: {  	v58 =	vadd.s32 $0x10000, v0;
	[tilespmem:$0x200] =	vst v57  }
0x1b: {  	v59 =	vadd.s32 $0x14000, v0;
	[tilespmem:$0x280] =	vst v58  }
0x1c: {  	v60 =	vadd.s32 $0x18000, v0;
	[tilespmem:$0x300] =	vst v59  }
0x1d: {  	v61 =	vadd.s32 $0x1C000, v0;
	[tilespmem:$0x380] =	vst v60  }
0x1e: {  	v62 =	vadd.s32 $0x20000, v0;
	[tilespmem:$0x400] =	vst v61  }
0x1f: {  	v63 =	vadd.s32 $0x24000, v0;
	[tilespmem:$0x480] =	vst v62  }
0x20: {  	v4 =	vadd.s32 $0x28000, v0;
	[tilespmem:$0x500] =	vst v63  }
0x21: {  	v5 =	vadd.s32 $0x2C000, v0;
	[tilespmem:$0x580] =	vst v4  }
0x22: {  	v6 =	vadd.s32 $0x30000, v0;
	[tilespmem:$0x600] =	vst v5  }
0x23: {  	v7 =	vadd.s32 $0x34000, v0;
	[tilespmem:$0x680] =	vst v6  }
0x24: {  	v8 =	vadd.s32 $0x38000, v0;
	[tilespmem:$0x700] =	vst v7  }
0x25: {  	v9 =	vadd.s32 $0x3C000, v0;
	[tilespmem:$0x780] =	vst v8  }
0x26: {  	v10 =	vadd.s32 $0x40000, v0;
	[tilespmem:$0x800] =	vst v9  }
0x27: {  	v11 =	vadd.s32 $0x44000, v0;
	[tilespmem:$0x880] =	vst v10  }
0x28: {  	v12 =	vadd.s32 $0x48000, v0;
	[tilespmem:$0x900] =	vst v11  }
0x29: {  	v13 =	vadd.s32 $0x4C000, v0;
	[tilespmem:$0x980] =	vst v12  }
0x2a: {  	v14 =	vadd.s32 $0x50000, v0;
	[tilespmem:$0xA00] =	vst v13  }
0x2b: {  	v15 =	vadd.s32 $0x54000, v0;
	[tilespmem:$0xA80] =	vst v14  }
0x2c: {  	v16 =	vadd.s32 $0x58000, v0;
	[tilespmem:$0xB00] =	vst v15  }
0x2d: {  	v0 =	vadd.s32 $0x5C000, v0;
	[tilespmem:$0xB80] =	vst v16  }
0x2e: {  	v17 =	vadd.s32 $0x4000, v2;
	[tilespmem:$0xC00] =	vst v0  }
0x2f: {  	v18 =	vadd.s32 $0x8000, v2;
	[tilespmem:$0x110] =	vst v17  }
0x30: {  	v19 =	vadd.s32 $0xC000, v2;
	[tilespmem:$0x190] =	vst v18  }
0x31: {  	v20 =	vadd.s32 $0x10000, v2;
	[tilespmem:$0x210] =	vst v19  }
0x32: {  	v21 =	vadd.s32 $0x14000, v2;
	[tilespmem:$0x290] =	vst v20  }
0x33: {  	v22 =	vadd.s32 $0x18000, v2;
	[tilespmem:$0x310] =	vst v21  }
0x34: {  	v23 =	vadd.s32 $0x1C000, v2;
	[tilespmem:$0x390] =	vst v22  }
0x35: {  	v24 =	vadd.s32 $0x20000, v2;
	[tilespmem:$0x410] =	vst v23  }
0x36: {  	v25 =	vadd.s32 $0x24000, v2;
	[tilespmem:$0x490] =	vst v24  }
0x37: {  	v26 =	vadd.s32 $0x28000, v2;
	[tilespmem:$0x510] =	vst v25  }
0x38: {  	v27 =	vadd.s32 $0x2C000, v2;
	[tilespmem:$0x590] =	vst v26  }
0x39: {  	v28 =	vadd.s32 $0x30000, v2;
	[tilespmem:$0x610] =	vst v27  }
0x3a: {  	v29 =	vadd.s32 $0x34000, v2;
	[tilespmem:$0x690] =	vst v28  }
0x3b: {  	v30 =	vadd.s32 $0x38000, v2;
	[tilespmem:$0x710] =	vst v29  }
0x3c: {  	v31 =	vadd.s32 $0x3C000, v2;
	[tilespmem:$0x790] =	vst v30  }
0x3d: {  	v32 =	vadd.s32 $0x40000, v2;
	[tilespmem:$0x810] =	vst v31  }
0x3e: {  	v33 =	vadd.s32 $0x44000, v2;
	[tilespmem:$0x890] =	vst v32  }
0x3f: {  	v34 =	vadd.s32 $0x48000, v2;
	[tilespmem:$0x910] =	vst v33  }
0x40: {  	v35 =	vadd.s32 $0x4C000, v2;
	[tilespmem:$0x990] =	vst v34  }
0x41: {  	v36 =	vadd.s32 $0x50000, v2;
	[tilespmem:$0xA10] =	vst v35  }
0x42: {  	v38 =	vadd.s32 $0x54000, v2;
	[tilespmem:$0xA90] =	vst v36  }
0x43: {  	v39 =	vadd.s32 $0x58000, v2;
	[tilespmem:$0xB10] =	vst v38  }
0x44: {  	v40 =	vadd.s32 $0x5C000, v2;
	[tilespmem:$0xB90] =	vst v39  }
0x45: {  	v41 =	vadd.s32 $0x4000, v37;
	[tilespmem:$0xC10] =	vst v40  }
0x46: {  	v42 =	vadd.s32 $0x8000, v37;
	[tilespmem:$0x120] =	vst v41  }
0x47: {  	v43 =	vadd.s32 $0xC000, v37;
	[tilespmem:$0x1A0] =	vst v42  }
0x48: {  	v44 =	vadd.s32 $0x10000, v37;
	[tilespmem:$0x220] =	vst v43  }
0x49: {  	v45 =	vadd.s32 $0x14000, v37;
	[tilespmem:$0x2A0] =	vst v44  }
0x4a: {  	v46 =	vadd.s32 $0x18000, v37;
	[tilespmem:$0x320] =	vst v45  }
0x4b: {  	v47 =	vadd.s32 $0x1C000, v37;
	[tilespmem:$0x3A0] =	vst v46  }
0x4c: {  	v48 =	vadd.s32 $0x20000, v37;
	[tilespmem:$0x420] =	vst v47  }
0x4d: {  	v49 =	vadd.s32 $0x24000, v37;
	[tilespmem:$0x4A0] =	vst v48  }
0x4e: {  	v50 =	vadd.s32 $0x28000, v37;
	[tilespmem:$0x520] =	vst v49  }
0x4f: {  	v51 =	vadd.s32 $0x2C000, v37;
	[tilespmem:$0x5A0] =	vst v50  }
0x50: {  	v52 =	vadd.s32 $0x30000, v37;
	[tilespmem:$0x620] =	vst v51  }
0x51: {  	v53 =	vadd.s32 $0x34000, v37;
	[tilespmem:$0x6A0] =	vst v52  }
0x52: {  	v54 =	vadd.s32 $0x38000, v37;
	[tilespmem:$0x720] =	vst v53  }
0x53: {  	v55 =	vadd.s32 $0x3C000, v37;
	[tilespmem:$0x7A0] =	vst v54  }
0x54: {  	[tilespmem:$0x820] =	vst v55;
	v56 =	vadd.s32 $0x40000, v37  }
0x55: {  	v57 =	vadd.s32 $0x44000, v37;
	[tilespmem:$0x8A0] =	vst v56  }
0x56: {  	v58 =	vadd.s32 $0x48000, v37;
	[tilespmem:$0x920] =	vst v57  }
0x57: {  	v59 =	vadd.s32 $0x4C000, v37;
	[tilespmem:$0x9A0] =	vst v58  }
0x58: {  	v60 =	vadd.s32 $0x50000, v37;
	v61 =	vld [tilespmem:$0x30];
	[tilespmem:$0xA20] =	vst v59  }
0x59: {  	v62 =	vadd.s32 $0x54000, v37;
	v25 =	vld [tilespmem:$0x40];
	[tilespmem:$0xAA0] =	vst v60  }
0x5a: {  	v63 =	vadd.s32 $0x58000, v37;
	v49 =	vld [tilespmem:$0x50];
	[tilespmem:$0xB20] =	vst v62  }
0x5b: {  	v4 =	vadd.s32 $0x5C000, v37;
	[tilespmem:$0xBA0] =	vst v63  }
0x5c: {  	[tilespmem:$0xC20] =	vst v4  }
0x5d: {  	[tilespmem:$0xB0] =	vst v61  }
0x5e: {  	[tilespmem:$0xC0] =	vst v25  }
0x5f: {  	v5 =	vadd.s32 $0x4000, v61;
	[tilespmem:$0xD0] =	vst v49  }
0x60: {  	v6 =	vadd.s32 $0x8000, v61;
	[tilespmem:$0x130] =	vst v5  }
0x61: {  	v7 =	vadd.s32 $0xC000, v61;
	[tilespmem:$0x1B0] =	vst v6  }
0x62: {  	v8 =	vadd.s32 $0x10000, v61;
	[tilespmem:$0x230] =	vst v7  }
0x63: {  	v9 =	vadd.s32 $0x14000, v61;
	[tilespmem:$0x2B0] =	vst v8  }
0x64: {  	v10 =	vadd.s32 $0x18000, v61;
	[tilespmem:$0x330] =	vst v9  }
0x65: {  	v11 =	vadd.s32 $0x1C000, v61;
	[tilespmem:$0x3B0] =	vst v10  }
0x66: {  	v12 =	vadd.s32 $0x20000, v61;
	[tilespmem:$0x430] =	vst v11  }
0x67: {  	v13 =	vadd.s32 $0x24000, v61;
	[tilespmem:$0x4B0] =	vst v12  }
0x68: {  	v14 =	vadd.s32 $0x28000, v61;
	[tilespmem:$0x530] =	vst v13  }
0x69: {  	v15 =	vadd.s32 $0x2C000, v61;
	[tilespmem:$0x5B0] =	vst v14  }
0x6a: {  	v16 =	vadd.s32 $0x30000, v61;
	[tilespmem:$0x630] =	vst v15  }
0x6b: {  	v17 =	vadd.s32 $0x34000, v61;
	[tilespmem:$0x6B0] =	vst v16  }
0x6c: {  	v18 =	vadd.s32 $0x38000, v61;
	[tilespmem:$0x730] =	vst v17  }
0x6d: {  	v19 =	vadd.s32 $0x3C000, v61;
	[tilespmem:$0x7B0] =	vst v18  }
0x6e: {  	v20 =	vadd.s32 $0x40000, v61;
	[tilespmem:$0x830] =	vst v19  }
0x6f: {  	v21 =	vadd.s32 $0x44000, v61;
	[tilespmem:$0x8B0] =	vst v20  }
0x70: {  	v22 =	vadd.s32 $0x48000, v61;
	[tilespmem:$0x930] =	vst v21  }
0x71: {  	v23 =	vadd.s32 $0x4C000, v61;
	[tilespmem:$0x9B0] =	vst v22  }
0x72: {  	v24 =	vadd.s32 $0x50000, v61;
	[tilespmem:$0xA30] =	vst v23  }
0x73: {  	v26 =	vadd.s32 $0x54000, v61;
	[tilespmem:$0xAB0] =	vst v24  }
0x74: {  	v27 =	vadd.s32 $0x58000, v61;
	[tilespmem:$0xB30] =	vst v26  }
0x75: {  	v28 =	vadd.s32 $0x5C000, v61;
	[tilespmem:$0xBB0] =	vst v27  }
0x76: {  	v29 =	vadd.s32 $0x4000, v25;
	[tilespmem:$0xC30] =	vst v28  }
0x77: {  	v30 =	vadd.s32 $0x8000, v25;
	[tilespmem:$0x140] =	vst v29  }
0x78: {  	v31 =	vadd.s32 $0xC000, v25;
	[tilespmem:$0x1C0] =	vst v30  }
0x79: {  	v32 =	vadd.s32 $0x10000, v25;
	[tilespmem:$0x240] =	vst v31  }
0x7a: {  	v33 =	vadd.s32 $0x14000, v25;
	[tilespmem:$0x2C0] =	vst v32  }
0x7b: {  	v34 =	vadd.s32 $0x18000, v25;
	[tilespmem:$0x340] =	vst v33  }
0x7c: {  	v35 =	vadd.s32 $0x1C000, v25;
	[tilespmem:$0x3C0] =	vst v34  }
0x7d: {  	v36 =	vadd.s32 $0x20000, v25;
	[tilespmem:$0x440] =	vst v35  }
0x7e: {  	v37 =	vadd.s32 $0x24000, v25;
	[tilespmem:$0x4C0] =	vst v36  }
0x7f: {  	v38 =	vadd.s32 $0x28000, v25;
	[tilespmem:$0x540] =	vst v37  }
0x80: {  	v39 =	vadd.s32 $0x2C000, v25;
	[tilespmem:$0x5C0] =	vst v38  }
0x81: {  	v40 =	vadd.s32 $0x30000, v25;
	[tilespmem:$0x640] =	vst v39  }
0x82: {  	v41 =	vadd.s32 $0x34000, v25;
	[tilespmem:$0x6C0] =	vst v40  }
0x83: {  	v42 =	vadd.s32 $0x38000, v25;
	[tilespmem:$0x740] =	vst v41  }
0x84: {  	v43 =	vadd.s32 $0x3C000, v25;
	[tilespmem:$0x7C0] =	vst v42  }
0x85: {  	v44 =	vadd.s32 $0x40000, v25;
	[tilespmem:$0x840] =	vst v43  }
0x86: {  	v45 =	vadd.s32 $0x44000, v25;
	[tilespmem:$0x8C0] =	vst v44  }
0x87: {  	v46 =	vadd.s32 $0x48000, v25;
	[tilespmem:$0x940] =	vst v45  }
0x88: {  	v47 =	vadd.s32 $0x4C000, v25;
	[tilespmem:$0x9C0] =	vst v46  }
0x89: {  	v48 =	vadd.s32 $0x50000, v25;
	[tilespmem:$0xA40] =	vst v47  }
0x8a: {  	v50 =	vadd.s32 $0x54000, v25;
	[tilespmem:$0xAC0] =	vst v48  }
0x8b: {  	v51 =	vadd.s32 $0x58000, v25;
	[tilespmem:$0xB40] =	vst v50  }
0x8c: {  	v52 =	vadd.s32 $0x5C000, v25;
	[tilespmem:$0xBC0] =	vst v51  }
0x8d: {  	v53 =	vadd.s32 $0x4000, v49;
	[tilespmem:$0xC40] =	vst v52  }
0x8e: {  	v54 =	vadd.s32 $0x8000, v49;
	[tilespmem:$0x150] =	vst v53  }
0x8f: {  	v55 =	vadd.s32 $0xC000, v49;
	[tilespmem:$0x1D0] =	vst v54  }
0x90: {  	v56 =	vadd.s32 $0x10000, v49;
	[tilespmem:$0x250] =	vst v55  }
0x91: {  	v57 =	vadd.s32 $0x14000, v49;
	[tilespmem:$0x2D0] =	vst v56  }
0x92: {  	v58 =	vadd.s32 $0x18000, v49;
	[tilespmem:$0x350] =	vst v57  }
0x93: {  	v59 =	vadd.s32 $0x1C000, v49;
	[tilespmem:$0x3D0] =	vst v58  }
0x94: {  	v60 =	vadd.s32 $0x20000, v49;
	[tilespmem:$0x450] =	vst v59  }
0x95: {  	v61 =	vadd.s32 $0x24000, v49;
	[tilespmem:$0x4D0] =	vst v60  }
0x96: {  	v62 =	vadd.s32 $0x28000, v49;
	[tilespmem:$0x550] =	vst v61  }
0x97: {  	v63 =	vadd.s32 $0x2C000, v49;
	[tilespmem:$0x5D0] =	vst v62  }
0x98: {  	v4 =	vadd.s32 $0x30000, v49;
	[tilespmem:$0x650] =	vst v63  }
0x99: {  	[tilespmem:$0x6D0] =	vst v4;
	v5 =	vadd.s32 $0x34000, v49  }
0x9a: {  	v6 =	vadd.s32 $0x38000, v49;
	[tilespmem:$0x750] =	vst v5  }
0x9b: {  	v7 =	vadd.s32 $0x3C000, v49;
	[tilespmem:$0x7D0] =	vst v6  }
0x9c: {  	v8 =	vadd.s32 $0x40000, v49;
	[tilespmem:$0x850] =	vst v7  }
0x9d: {  	v9 =	vadd.s32 $0x44000, v49;
	[tilespmem:$0x8D0] =	vst v8  }
0x9e: {  	v10 =	vadd.s32 $0x48000, v49;
	[tilespmem:$0x950] =	vst v9  }
0x9f: {  	v11 =	vadd.s32 $0x4C000, v49;
	[tilespmem:$0x9D0] =	vst v10  }
0xa0: {  	v12 =	vld [tilespmem:$0x60];
	v13 =	vadd.s32 $0x50000, v49;
	[tilespmem:$0xA50] =	vst v11  }
0xa1: {  	v14 =	vadd.s32 $0x54000, v49;
	v38 =	vld [tilespmem:$0x70];
	[tilespmem:$0xAD0] =	vst v13  }
0xa2: {  	v15 =	vadd.s32 $0x58000, v49;
	[tilespmem:$0xB50] =	vst v14  }
0xa3: {  	v16 =	vadd.s32 $0x5C000, v49;
	[tilespmem:$0xBD0] =	vst v15  }
0xa4: {  	[tilespmem:$0xC50] =	vst v16  }
0xa5: {  	[tilespmem:$0xE0] =	vst v12  }
0xa6: {  	v17 =	vadd.s32 $0x4000, v12;
	[tilespmem:$0xF0] =	vst v38  }
0xa7: {  	v18 =	vadd.s32 $0x8000, v12;
	[tilespmem:$0x160] =	vst v17  }
0xa8: {  	v19 =	vadd.s32 $0xC000, v12;
	[tilespmem:$0x1E0] =	vst v18  }
0xa9: {  	v20 =	vadd.s32 $0x10000, v12;
	[tilespmem:$0x260] =	vst v19  }
0xaa: {  	v21 =	vadd.s32 $0x14000, v12;
	[tilespmem:$0x2E0] =	vst v20  }
0xab: {  	v22 =	vadd.s32 $0x18000, v12;
	[tilespmem:$0x360] =	vst v21  }
0xac: {  	v23 =	vadd.s32 $0x1C000, v12;
	[tilespmem:$0x3E0] =	vst v22  }
0xad: {  	v24 =	vadd.s32 $0x20000, v12;
	[tilespmem:$0x460] =	vst v23  }
0xae: {  	v25 =	vadd.s32 $0x24000, v12;
	[tilespmem:$0x4E0] =	vst v24  }
0xaf: {  	v26 =	vadd.s32 $0x28000, v12;
	[tilespmem:$0x560] =	vst v25  }
0xb0: {  	v27 =	vadd.s32 $0x2C000, v12;
	[tilespmem:$0x5E0] =	vst v26  }
0xb1: {  	v28 =	vadd.s32 $0x30000, v12;
	[tilespmem:$0x660] =	vst v27  }
0xb2: {  	v29 =	vadd.s32 $0x34000, v12;
	[tilespmem:$0x6E0] =	vst v28  }
0xb3: {  	v30 =	vadd.s32 $0x38000, v12;
	[tilespmem:$0x760] =	vst v29  }
0xb4: {  	v31 =	vadd.s32 $0x3C000, v12;
	[tilespmem:$0x7E0] =	vst v30  }
0xb5: {  	v32 =	vadd.s32 $0x40000, v12;
	[tilespmem:$0x860] =	vst v31  }
0xb6: {  	v33 =	vadd.s32 $0x44000, v12;
	[tilespmem:$0x8E0] =	vst v32  }
0xb7: {  	v34 =	vadd.s32 $0x48000, v12;
	[tilespmem:$0x960] =	vst v33  }
0xb8: {  	v35 =	vadd.s32 $0x4C000, v12;
	[tilespmem:$0x9E0] =	vst v34  }
0xb9: {  	v36 =	vadd.s32 $0x50000, v12;
	[tilespmem:$0xA60] =	vst v35  }
0xba: {  	v37 =	vadd.s32 $0x54000, v12;
	[tilespmem:$0xAE0] =	vst v36  }
0xbb: {  	v39 =	vadd.s32 $0x58000, v12;
	[tilespmem:$0xB60] =	vst v37  }
0xbc: {  	v40 =	vadd.s32 $0x5C000, v12;
	[tilespmem:$0xBE0] =	vst v39  }
0xbd: {  	v41 =	vadd.s32 $0x4000, v38;
	[tilespmem:$0xC60] =	vst v40  }
0xbe: {  	v42 =	vadd.s32 $0x8000, v38;
	[tilespmem:$0x170] =	vst v41  }
0xbf: {  	v43 =	vadd.s32 $0xC000, v38;
	[tilespmem:$0x1F0] =	vst v42  }
0xc0: {  	v44 =	vadd.s32 $0x10000, v38;
	[tilespmem:$0x270] =	vst v43  }
0xc1: {  	v45 =	vadd.s32 $0x14000, v38;
	[tilespmem:$0x2F0] =	vst v44  }
0xc2: {  	v46 =	vadd.s32 $0x18000, v38;
	[tilespmem:$0x370] =	vst v45  }
0xc3: {  	v47 =	vadd.s32 $0x1C000, v38;
	[tilespmem:$0x3F0] =	vst v46  }
0xc4: {  	v48 =	vadd.s32 $0x20000, v38;
	[tilespmem:$0x470] =	vst v47  }
0xc5: {  	v49 =	vadd.s32 $0x24000, v38;
	[tilespmem:$0x4F0] =	vst v48  }
0xc6: {  	v50 =	vadd.s32 $0x28000, v38;
	[tilespmem:$0x570] =	vst v49  }
0xc7: {  	v51 =	vadd.s32 $0x2C000, v38;
	[tilespmem:$0x5F0] =	vst v50  }
0xc8: {  	v52 =	vadd.s32 $0x30000, v38;
	[tilespmem:$0x670] =	vst v51  }
0xc9: {  	v53 =	vadd.s32 $0x34000, v38;
	[tilespmem:$0x6F0] =	vst v52  }
0xca: {  	v54 =	vadd.s32 $0x38000, v38;
	[tilespmem:$0x770] =	vst v53  }
0xcb: {  	v55 =	vadd.s32 $0x3C000, v38;
	[tilespmem:$0x7F0] =	vst v54  }
0xcc: {  	v56 =	vadd.s32 $0x40000, v38;
	[tilespmem:$0x870] =	vst v55  }
0xcd: {  	v57 =	vadd.s32 $0x44000, v38;
	[tilespmem:$0x8F0] =	vst v56  }
0xce: {  	v58 =	vadd.s32 $0x48000, v38;
	[tilespmem:$0x970] =	vst v57  }
0xcf: {  	v59 =	vadd.s32 $0x4C000, v38;
	[tilespmem:$0x9F0] =	vst v58  }
0xd0: {  	v60 =	vadd.s32 $0x50000, v38;
	[tilespmem:$0xA70] =	vst v59  }
0xd1: {  	v61 =	vadd.s32 $0x54000, v38;
	[tilespmem:$0xAF0] =	vst v60  }
0xd2: {  	v62 =	vadd.s32 $0x58000, v38;
	[tilespmem:$0xB70] =	vst v61  }
0xd3: {  	v63 =	vadd.s32 $0x5C000, v38;
	[tilespmem:$0xBF0] =	vst v62  }
0xd4: {  	[tilespmem:$0xC70] =	vst v63  }
0xd5: {  	[tilespmem:s10], [sflag:$0x1] =	stream.indirect.gather [hbm4b:s4+s8], $0x1, s9, s8, $0xb8;
	[tilespmem:$0x1880] =	vst v63  }
0xd6: {  	_ =	swait.ge [sflag:s11], $0xC00  }
0xd7: {  	p0 =	sne.s32 s5, $0x1;
	[sflag:s11] =	ssyncset.done $0x0  }
.Ltmp1:
0xd8: {  	[sflag:s11] =	ssyncadd.s32 $0xFFFFF400;
	(pc) =	sbr.rel @p0 .LBB2_2-.Ltmp1, $4  }
0xd9: {  	[hbm4b:s3+s6] =	stream.linear.scatter [tilespmem:s10], [sflag:$0x2], $0xC00, $0x38;
	[tilespmem:$0x1880] =	vst v63  }
0xda: {  	_ =	swait.ge [sflag:s7], $0xC00  }
0xdb: {  	[sflag:s7] =	ssyncset.done $0x0  }
0xdc: {  	s5 =	sadd.s32 $0xFFFFFFFF, s5;
	[sflag:s7] =	ssyncadd.s32 $0xFFFFF400  }
.LBB2_3:
0xdd: {  	_ =	sfence.sel $0x180000  }
0xde: {  	[bflag:$0x0] =	sbarrier.arrive $0xFFFF  }
0xdf: {  	p0 =	sne.s32 s0, $0x0;
	_ =	strace $0x90000047  }
0xe0: {  	s0 =	sadd.s32 @!p0 $0x100000, s1;
	[bflag:$0x2] =	sbarrier.arrive $0xFFFF  }
0xe1: {  	[sflag:s0] =	ssyncadd.tile.s32 @!p0 $0x1;
	_ =	shalt  }
.Lfunc_end2:
_tile_overlayer_lowered:
.L_overlay_start_2:
0xe2: {  	(tag) =	ssettag $0x2  }
0xe3: {  	s0 =	rddreg [dreg:$0x0];
	s2 =	stileid.u32  }
0xe4: {  	s1 =	rddreg [dreg:$0x1];
	p0 =	sne.s32 s2, $0x0  }
0xe5: {  	s3 =	rddreg [dreg:$0x2];
	[bflag:$0x3] =	sbarrier.arrive $0xFFFF;
	s2 =	simm.s32 @!p0 $0x1C02  }
0xe6: {  	[timem:s3], [sflag:s2] =	dma.local @!p0 [hbm:s0], s1  }
0xe7: {  	s0 =	simm.s32 @!p0 $0x2  }
0xe8: {  	_ =	swait.ge @!p0 [sflag:s0], s1  }
0xe9: {  	s1 =	ssub.s32 @!p0 $0x0, s1;
	[sflag:s0] =	ssyncset.done @!p0 $0x0  }
0xea: {  	[sflag:s0] =	ssyncadd.s32 @!p0 s1  }
0xeb: {  	[bflag:$0x3] =	sbarrier.arrive $0xFFFF  }
0xec: {  	_ =	shalt  }

</sc_bundles>
